<compile_context>
chip_gen: v7x
topology: tpu7x:2x2x1
jax: 0.10.2.dev20260603
libtpu: 0.0.44.dev20260713+nightly
codegen_flags: <defaults>
</compile_context>

<pallas_src>
import jax
import jax.numpy as jnp
from jax.experimental import pallas as pl
from jax.experimental.pallas import tpu as pltpu

NA = 5
NC = 20
NGT = 20
GY = 52
GX = 52
NPOS = GY * GX
CH = 25
IOU_TH = 0.6
L_OBJ = 5.0
L_PRIOR = 0.01
EPS = 1e-05
BIG = 1e9


def _mm(lhs_bf, rhs_bf):
    return jax.lax.dot_general(lhs_bf, rhs_bf, (((1,), (0,)), ((), ())),
                               preferred_element_type=jnp.float32)


def _body(pred_ref, gt_ref, gtt_ref, anchv_ref, cxy_ref, anch_ref, seen_ref,
          out_ref, bo_ref, iou_ref, tb_ref):
    b = pl.program_id(0)

    @pl.when(b == 0)
    def _():
        out_ref[0, 0] = 0.0

    cxb = jnp.broadcast_to(cxy_ref[0:1, :], (NGT, NPOS))
    cyb = jnp.broadcast_to(cxy_ref[1:2, :], (NGT, NPOS))

    g = gt_ref[0]
    g0 = g[:, 0:1]
    g1 = g[:, 1:2]
    g2 = g[:, 2:3]
    g3 = g[:, 3:4]
    gx1 = g0 - g2 * 0.5
    gy1 = g1 - g3 * 0.5
    gx2 = g0 + g2 * 0.5
    gy2 = g1 + g3 * 0.5
    area_g = (gx2 - gx1) * (gy2 - gy1)

    j_iota = jax.lax.broadcasted_iota(jnp.int32, (NGT, NPOS), 0).astype(jnp.float32)
    pos_iota = jax.lax.broadcasted_iota(jnp.int32, (NGT, NPOS), 1).astype(jnp.float32)

    dx2 = gx2 - cxb
    dx1 = cxb - gx1
    dy2 = gy2 - cyb
    dy1 = cyb - gy1
    gbest = jnp.full((NGT, 1), -1.0, jnp.float32)
    gflat = jnp.zeros((NGT, 1), jnp.float32)
    for a in range(NA):
        awh = anch_ref[a, 0] * 0.5
        ahh = anch_ref[a, 1] * 0.5
        area_col = area_g + (anch_ref[a, 0] * anch_ref[a, 1] + 1e-10)
        iw = jnp.maximum(jnp.minimum(dx2, awh) + jnp.minimum(dx1, awh), 0.0)
        ih = jnp.maximum(jnp.minimum(dy2, ahh) + jnp.minimum(dy1, ahh), 0.0)
        inter = iw * ih
        iou = inter * pl.reciprocal(area_col - inter, approx=True)
        iou_ref[a, 0:NGT, :] = iou

        m = jnp.max(iou, axis=1, keepdims=True)
        pidx = jnp.min(jnp.where(iou == m, pos_iota, BIG), axis=1,
                       keepdims=True)
        flat = pidx + float(a * NPOS)
        upd = m > gbest
        gbest = jnp.where(upd, m, gbest)
        gflat = jnp.where(upd, flat, gflat)

    gT = gtt_ref[0]
    g_box = gT[0:4, :].astype(jnp.bfloat16)
    clscol = g[:, 4:5]
    c_row = jax.lax.broadcasted_iota(jnp.int32, (NGT, NC), 1).astype(jnp.float32)
    perm = jnp.where(clscol == c_row, 1.0, 0.0).astype(jnp.bfloat16)
    ones_row = jnp.ones((1, NGT), jnp.bfloat16)
    scat_val = 3.0 + 0.01 * j_iota

    acc1 = jnp.zeros((1, NPOS), jnp.float32)

    for a in range(NA):
        gflat_a = gflat - float(a * NPOS)
        eqm = gflat_a == pos_iota
        iou_s = jnp.where(eqm, scat_val, iou_ref[a, 0:NGT, :])
        bo = jnp.max(iou_s, axis=0, keepdims=True)
        bo_ref[a:a + 1, :] = bo
        matchf = (bo > IOU_TH).astype(jnp.float32)

        onehot = jnp.where(iou_s == bo, 1.0, 0.0).astype(jnp.bfloat16)
        t_box = _mm(g_box, onehot)
        tb_ref[a, 0:4, :] = t_box

        e = jnp.exp(pred_ref[0, a, 5:CH, :])
        e_bf = e.astype(jnp.bfloat16)
        s_raw = _mm(ones_row, e_bf)
        s2_raw = _mm(ones_row, e_bf * e_bf)
        e_gt = _mm(perm, e_bf)
        te_raw = _mm(ones_row, e_gt.astype(jnp.bfloat16) * onehot)
        s = jnp.where(matchf > 0.0, s_raw, float(NC))
        s2 = jnp.where(matchf > 0.0, s2_raw, float(NC))
        esel = jnp.where(matchf > 0.0, te_raw, 1.0)
        r = pl.reciprocal(s, approx=True)
        acc1 = acc1 + ((s2 * r - 2.0 * esel) * r + 1.0)

    awcol = anchv_ref[0][:, 0:1]
    ahcol = anchv_ref[0][:, 1:2]
    p0 = jax.nn.sigmoid(pred_ref[0, :, 0, :])
    p1 = jax.nn.sigmoid(pred_ref[0, :, 1, :])
    p2 = jnp.exp(pred_ref[0, :, 2, :]) * awcol
    p3 = jnp.exp(pred_ref[0, :, 3, :]) * ahcol
    p4 = jax.nn.sigmoid(pred_ref[0, :, 4, :])
    t0 = tb_ref[:, 0, :]
    t1 = tb_ref[:, 1, :]
    t2 = tb_ref[:, 2, :]
    t3 = tb_ref[:, 3, :]
    matchf = (bo_ref[0:NA, :] > IOU_TH).astype(jnp.float32)
    negf = 1.0 - matchf
    t0m = t0 * matchf
    t1m = t1 * matchf
    t2m = t2 * matchf
    t3m = t3 * matchf

    iw = jnp.maximum(
        jnp.minimum(p0 + p2 * 0.5, t0m + t2m * 0.5)
        - jnp.maximum(p0 - p2 * 0.5, t0m - t2m * 0.5), 0.0)
    ih = jnp.maximum(
        jnp.minimum(p1 + p3 * 0.5, t1m + t3m * 0.5)
        - jnp.maximum(p1 - p3 * 0.5, t1m - t3m * 0.5), 0.0)
    inter = iw * ih
    iou_pt = inter * pl.reciprocal(p2 * p3 + t2m * t3m - inter + EPS,
                                   approx=True)

    noobj_c = jnp.where(iou_pt <= IOU_TH, p4 * p4, 0.0)
    prior_c = negf * ((p0 - 0.5 / GX) ** 2 + (p1 - 0.5 / GY) ** 2
                      + (p2 - awcol) ** 2 + (p3 - ahcol) ** 2)
    box_c = matchf * ((p0 - t0) ** 2 + (p1 - t1) ** 2
                      + (p2 - t2) ** 2 + (p3 - t3) ** 2)
    obj_c = matchf * (p4 - iou_pt) ** 2

    seen_lt = (seen_ref[0, 0] < 12800).astype(jnp.float32)
    acc5 = noobj_c + box_c + L_OBJ * obj_c + (L_PRIOR * seen_lt) * prior_c

    out_ref[0, 0] += jnp.sum(acc5) + jnp.sum(acc1)


def _run(pred_r, gt, gt_t, anchv, cxy, anch, seen_arr, interpret=False):
    B = pred_r.shape[0]
    return pl.pallas_call(
        _body,
        grid=(B,),
        in_specs=[
            pl.BlockSpec((1, NA, CH, NPOS), lambda b: (b, 0, 0, 0)),
            pl.BlockSpec((1, NGT, 5), lambda b: (b, 0, 0)),
            pl.BlockSpec((1, 5, NGT), lambda b: (b, 0, 0)),
            pl.BlockSpec((1, NA, 2), lambda b: (0, 0, 0)),
            pl.BlockSpec((2, NPOS), lambda b: (0, 0)),
            pl.BlockSpec(memory_space=pltpu.SMEM),
            pl.BlockSpec(memory_space=pltpu.SMEM),
        ],
        out_specs=pl.BlockSpec(memory_space=pltpu.SMEM),
        out_shape=jax.ShapeDtypeStruct((1, 1), jnp.float32),
        scratch_shapes=[
            pltpu.VMEM((8, NPOS), jnp.float32),
            pltpu.VMEM((NA, NGT, NPOS), jnp.float32),
            pltpu.VMEM((NA, 8, NPOS), jnp.float32),
        ],
        interpret=interpret,
    )(pred_r, gt, gt_t, anchv, cxy, anch, seen_arr)


def kernel(prediction, groundtruth, anchors, seen, interpret=False):
    B = prediction.shape[0]
    pred_r = prediction.reshape(B, NA, CH, NPOS)
    gt = groundtruth
    gt_t = jnp.transpose(groundtruth, (0, 2, 1))
    xs = (jnp.arange(GX, dtype=jnp.float32) + 0.5) / GX
    ys = (jnp.arange(GY, dtype=jnp.float32) + 0.5) / GY
    cx = jnp.tile(xs, (GY,))
    cy = jnp.repeat(ys, GX)
    cxy = jnp.stack([cx, cy], axis=0)
    anch = anchors.reshape(NA, 2)
    anchv = anch.reshape(1, NA, 2)
    seen_arr = jnp.asarray(seen, jnp.int32).reshape(1, 1)
    out = _run(pred_r, gt, gt_t, anchv, cxy, anch, seen_arr,
               interpret=interpret)
    return out[0, 0]

# --- scband reference (transcript-rebuilt; emitter-appended) ---
"""Pipeline reference for scband-yolov2-loss-53077205844622 (READ-ONLY COPY).

The authoritative reference and input builder live on the scoring server;
editing this copy changes nothing except your own understanding.
"""

import jax, jax.numpy as jnp
import numpy as np

NUM_ANCHORS = 5
NUM_CLASSES = 20
IOU_THRESHOLD = 0.6
LAMBDA_OBJ = 5.0
LAMBDA_PRIOR = 0.01
EPS = 1e-05


def xywh_to_xyxy(b):
    return jnp.stack([b[..., 0] - b[..., 2] / 2.0,
                      b[..., 1] - b[..., 3] / 2.0,
                      b[..., 0] + b[..., 2] / 2.0,
                      b[..., 1] + b[..., 3] / 2.0], axis=-1)


def box_iou(a, b):
    area_a = (a[:, 2] - a[:, 0]) * (a[:, 3] - a[:, 1])
    area_b = (b[:, 2] - b[:, 0]) * (b[:, 3] - b[:, 1])
    lt = jnp.maximum(a[:, None, :2], b[None, :, :2])
    rb = jnp.minimum(a[:, None, 2:], b[None, :, 2:])
    wh = jnp.clip(rb - lt, 0.0, None)
    inter = wh[..., 0] * wh[..., 1]
    return inter / (area_a[:, None] + area_b[None, :] - inter + 1e-10)


def generate_grid_train(grid_x, grid_y):
    xs = (jnp.arange(grid_x, dtype=jnp.float32) + 0.5) / grid_x
    ys = (jnp.arange(grid_y, dtype=jnp.float32) + 0.5) / grid_y
    gxg, gyg = jnp.meshgrid(xs, ys)
    grid = jnp.stack([gxg, gyg], axis=0)[None, None]
    return jnp.tile(grid, (1, NUM_ANCHORS, 1, 1, 1))


def elementwise_iou(p, t):
    px1 = p[:, :, 0:1] - p[:, :, 2:3] / 2.0
    py1 = p[:, :, 1:2] - p[:, :, 3:4] / 2.0
    px2 = p[:, :, 0:1] + p[:, :, 2:3] / 2.0
    py2 = p[:, :, 1:2] + p[:, :, 3:4] / 2.0
    tx1 = t[:, :, 0:1] - t[:, :, 2:3] / 2.0
    ty1 = t[:, :, 1:2] - t[:, :, 3:4] / 2.0
    tx2 = t[:, :, 0:1] + t[:, :, 2:3] / 2.0
    ty2 = t[:, :, 1:2] + t[:, :, 3:4] / 2.0
    iw = jnp.clip(jnp.minimum(px2, tx2) - jnp.maximum(px1, tx1), 0.0, None)
    ih = jnp.clip(jnp.minimum(py2, ty2) - jnp.maximum(py1, ty1), 0.0, None)
    inter = iw * ih
    union = p[:, :, 2:3] * p[:, :, 3:4] + t[:, :, 2:3] * t[:, :, 3:4] - inter
    return inter / (union + EPS)


def match(groundtruth, grids, anchors):
    B = groundtruth.shape[0]
    A, gy, gx = grids.shape[1], grids.shape[3], grids.shape[4]
    default_boxes = jnp.concatenate([grids, jnp.tile(anchors, (1, 1, 1, gy, gx))], axis=2)
    default_boxes = default_boxes.reshape(1, A, 4, -1).transpose(0, 1, 3, 2).reshape(-1, 4)
    db_xyxy = xywh_to_xyxy(default_boxes)
    rows = []
    for b in range(B):
        g = groundtruth[b]
        overlaps = box_iou(xywh_to_xyxy(g[:, :4]), db_xyxy)
        best_gt_overlap = overlaps.max(axis=0)
        best_gt_idx = overlaps.argmax(axis=0)
        over = best_gt_overlap > IOU_THRESHOLD
        t = jnp.where(over[:, None], g[best_gt_idx], 0.0)
        best_prior_idx = overlaps.argmax(axis=1)
        t = t.at[best_prior_idx].set(g)
        rows.append(t)
    target = jnp.stack(rows, axis=0)
    onehot = jax.nn.one_hot(target[:, :, 4].astype(jnp.int32), NUM_CLASSES, dtype=target.dtype)
    target = jnp.concatenate([target, onehot], axis=2)
    target = target.reshape(B, A, gy * gx, 5 + NUM_CLASSES).transpose(0, 1, 3, 2).reshape(B, A, 5 + NUM_CLASSES, gy, gx)
    return target


def yolo_loss(prediction, groundtruth, anchors, seen):
    B, C, gy, gx = prediction.shape
    A = NUM_ANCHORS
    p = prediction.reshape(B, A, C // A, gy, gx)
    p = jnp.concatenate([jax.nn.sigmoid(p[:, :, 0:2]),
                         jnp.exp(p[:, :, 2:4]) * anchors,
                         jax.nn.sigmoid(p[:, :, 4:5]),
                         p[:, :, 5:]], axis=2)
    grids = generate_grid_train(gx, gy)
    target = match(groundtruth, grids, anchors)
    ious = elementwise_iou(p[:, :, :4], target[:, :, :4])
    noobj_ind = (ious <= IOU_THRESHOLD).astype(p.dtype)
    noobj_loss = jnp.sum(jnp.square(noobj_ind * p[:, :, 4:5]))
    pos = target[:, :, 4:5] > 0.0
    posf = pos.astype(p.dtype)
    negf = 1.0 - posf
    box_pred = negf * p[:, :, 0:4]
    at_xy = jnp.concatenate([jnp.full((B, A, 1, gy, gx), 0.5 / gx, dtype=p.dtype),
                             jnp.full((B, A, 1, gy, gx), 0.5 / gy, dtype=p.dtype)], axis=2)
    at_wh = jnp.tile(anchors, (B, 1, 1, gy, gx))
    anchors_truth = negf * jnp.concatenate([at_xy, at_wh], axis=2)
    prior_loss = jnp.where(seen < 12800,
                           jnp.sum(jnp.square(box_pred - anchors_truth)),
                           jnp.float32(0.0))
    positive = p * posf
    x_loss = jnp.sum(jnp.square(positive[:, :, 0:1] - target[:, :, 0:1]))
    y_loss = jnp.sum(jnp.square(positive[:, :, 1:2] - target[:, :, 1:2]))
    wh_loss = jnp.sum(jnp.square(positive[:, :, 2:4] - target[:, :, 2:4]))
    box_loss = x_loss + y_loss + wh_loss
    obj_loss = jnp.sum(jnp.square(positive[:, :, 4:5] - ious * posf))
    cls_pred = jax.nn.softmax(positive[:, :, 5:], axis=2)
    cls_loss = jnp.sum(jnp.square(cls_pred - target[:, :, 5:]))
    return cls_loss + noobj_loss + LAMBDA_OBJ * obj_loss + box_loss + LAMBDA_PRIOR * prior_loss


def setup_inputs(seed: int = 0):
    key = jax.random.key(seed)
    k1, k2, k3, k4 = jax.random.split(key, 4)
    B, gy, gx, n_gt = 32, 52, 52, 20
    prediction = 0.5 * jax.random.normal(k1, (B, NUM_ANCHORS * (5 + NUM_CLASSES), gy, gx), dtype=jnp.float32)
    xy = jax.random.uniform(k2, (B, n_gt, 2), dtype=jnp.float32, minval=0.05, maxval=0.95)
    wh = jax.random.uniform(k3, (B, n_gt, 2), dtype=jnp.float32, minval=0.02, maxval=0.4)
    cls = jax.random.randint(k4, (B, n_gt, 1), 1, NUM_CLASSES).astype(jnp.float32)
    groundtruth = jnp.concatenate([xy, wh, cls], axis=-1)
    anchors_np = np.array([[1.3221, 1.73145], [3.19275, 4.00944], [5.05587, 8.09892],
                           [9.47112, 4.84053], [11.2364, 10.0071]], dtype=np.float32) / 13.0
    anchors = jnp.asarray(anchors_np).reshape(1, NUM_ANCHORS, 2, 1, 1)
    return {"prediction": prediction, "groundtruth": groundtruth, "anchors": anchors, "seen": 5000}


def reference(prediction, groundtruth, anchors, seen):
    return yolo_loss(prediction, groundtruth, anchors, seen)

if __name__ == "__main__":
    import jax
    _d = setup_inputs()
    print(jax.jit(kernel)(*tuple(_d.values())))

</pallas_src>

<mosaic_0001>
module attributes {stable_mosaic.version = 14 : i64} {
  func.func @_body(%arg0: i32, %arg1: memref<1x5x25x2704xf32, #tpu.memory_space<vmem>>, %arg2: memref<1x20x5xf32, #tpu.memory_space<vmem>>, %arg3: memref<1x5x20xf32, #tpu.memory_space<vmem>>, %arg4: memref<1x5x2xf32, #tpu.memory_space<vmem>>, %arg5: memref<2x2704xf32, #tpu.memory_space<vmem>>, %arg6: memref<5x2xf32, #tpu.memory_space<smem>>, %arg7: memref<1x1xi32, #tpu.memory_space<smem>>, %arg8: memref<1x1xf32, #tpu.memory_space<smem>>, %arg9: memref<8x2704xf32, #tpu.memory_space<vmem>>, %arg10: memref<5x20x2704xf32, #tpu.memory_space<vmem>>, %arg11: memref<5x8x2704xf32, #tpu.memory_space<vmem>>) attributes {dimension_semantics = [#tpu.dimension_semantics<arbitrary>], iteration_bounds = array<i64: 32>, scalar_prefetch = 0 : i64, scratch_operands = 3 : i64, tpu.core_type = #tpu.core_type<tc>, window_params = [{transform_indices = @transform_0, window_bounds = array<i64: 1, 5, 25, 2704>}, {transform_indices = @transform_1, window_bounds = array<i64: 1, 20, 5>}, {transform_indices = @transform_2, window_bounds = array<i64: 1, 5, 20>}, {pipeline_mode = #tpu.pipeline_mode<synchronous>, transform_indices = @transform_3, window_bounds = array<i64: 1, 5, 2>}, {pipeline_mode = #tpu.pipeline_mode<synchronous>, transform_indices = @transform_4, window_bounds = array<i64: 2, 2704>}, {transform_indices = @transform_5, window_bounds = array<i64: 5, 2>}, {transform_indices = @transform_6, window_bounds = array<i64: 1, 1>}, {transform_indices = @transform_7, window_bounds = array<i64: 1, 1>}]} {
    %eq3A = arith.constant 0 : i32
    %eq3A_0 = arith.cmpi eq, %arg0, %eq3A : i32
    %convert_element_type3A = arith.extui %eq3A_0 : i1 to i32
    %cond3A = arith.constant 0 : i32
    %cond3A_1 = arith.cmpi ne, %convert_element_type3A, %cond3A : i32
    scf.if %cond3A_1 {
      %swap3A_1045 = arith.constant 0.000000e+00 : f32
      %swap3A_1046 = arith.constant 0 : index
      %swap3A_1047 = arith.constant 0 : index
      %swap3A_1048 = memref.load %arg8[%swap3A_1046, %swap3A_1047] : memref<1x1xf32, #tpu.memory_space<smem>>
      memref.store %swap3A_1045, %arg8[%swap3A_1046, %swap3A_1047] : memref<1x1xf32, #tpu.memory_space<smem>>
    } else {
    }
    %get3A = arith.constant 0 : index
    %get3A_2 = arith.constant 0 : index
    %get3A_3 = vector.load %arg5[%get3A, %get3A_2] : memref<2x2704xf32, #tpu.memory_space<vmem>>, vector<1x2704xf32>
    %broadcast_in_dim3A = vector.shape_cast %get3A_3 : vector<1x2704xf32> to vector<1x2704xf32>
    %broadcast_in_dim3A_4 = vector.broadcast %broadcast_in_dim3A : vector<1x2704xf32> to vector<20x2704xf32>
    %get3A_5 = arith.constant 1 : index
    %get3A_6 = arith.constant 0 : index
    %get3A_7 = vector.load %arg5[%get3A_5, %get3A_6] : memref<2x2704xf32, #tpu.memory_space<vmem>>, vector<1x2704xf32>
    %broadcast_in_dim3A_8 = vector.shape_cast %get3A_7 : vector<1x2704xf32> to vector<1x2704xf32>
    %broadcast_in_dim3A_9 = vector.broadcast %broadcast_in_dim3A_8 : vector<1x2704xf32> to vector<20x2704xf32>
    %get3A_10 = arith.constant 0 : index
    %get3A_11 = arith.constant 0 : index
    %get3A_12 = arith.constant 0 : index
    %get3A_13 = vector.load %arg2[%get3A_10, %get3A_11, %get3A_12] : memref<1x20x5xf32, #tpu.memory_space<vmem>>, vector<1x20x5xf32>
    %get3A_14 = vector.shape_cast %get3A_13 : vector<1x20x5xf32> to vector<20x5xf32>
    %slice3A = vector.extract_strided_slice %get3A_14 {offsets = [0, 0], sizes = [20, 1], strides = [1, 1]} : vector<20x5xf32> to vector<20x1xf32>
    %slice3A_15 = vector.extract_strided_slice %get3A_14 {offsets = [0, 1], sizes = [20, 1], strides = [1, 1]} : vector<20x5xf32> to vector<20x1xf32>
    %slice3A_16 = vector.extract_strided_slice %get3A_14 {offsets = [0, 2], sizes = [20, 1], strides = [1, 1]} : vector<20x5xf32> to vector<20x1xf32>
    %slice3A_17 = vector.extract_strided_slice %get3A_14 {offsets = [0, 3], sizes = [20, 1], strides = [1, 1]} : vector<20x5xf32> to vector<20x1xf32>
    %mul3A = arith.constant 5.000000e-01 : f32
    %mul3A_18 = vector.broadcast %mul3A : f32 to vector<20x1xf32>
    %mul3A_19 = arith.mulf %slice3A_16, %mul3A_18 : vector<20x1xf32>
    %sub3A = arith.subf %slice3A, %mul3A_19 : vector<20x1xf32>
    %mul3A_20 = arith.constant 5.000000e-01 : f32
    %mul3A_21 = vector.broadcast %mul3A_20 : f32 to vector<20x1xf32>
    %mul3A_22 = arith.mulf %slice3A_17, %mul3A_21 : vector<20x1xf32>
    %sub3A_23 = arith.subf %slice3A_15, %mul3A_22 : vector<20x1xf32>
    %mul3A_24 = arith.constant 5.000000e-01 : f32
    %mul3A_25 = vector.broadcast %mul3A_24 : f32 to vector<20x1xf32>
    %mul3A_26 = arith.mulf %slice3A_16, %mul3A_25 : vector<20x1xf32>
    %add3A = arith.addf %slice3A, %mul3A_26 : vector<20x1xf32>
    %mul3A_27 = arith.constant 5.000000e-01 : f32
    %mul3A_28 = vector.broadcast %mul3A_27 : f32 to vector<20x1xf32>
    %mul3A_29 = arith.mulf %slice3A_17, %mul3A_28 : vector<20x1xf32>
    %add3A_30 = arith.addf %slice3A_15, %mul3A_29 : vector<20x1xf32>
    %sub3A_31 = arith.subf %add3A, %sub3A : vector<20x1xf32>
    %sub3A_32 = arith.subf %add3A_30, %sub3A_23 : vector<20x1xf32>
    %mul3A_33 = arith.mulf %sub3A_31, %sub3A_32 : vector<20x1xf32>
    %iota3A = tpu.iota {dimensions = array<i32: 0>} : vector<20x2704xi32>
    %convert_element_type3A_34 = arith.sitofp %iota3A : vector<20x2704xi32> to vector<20x2704xf32>
    %iota3A_35 = tpu.iota {dimensions = array<i32: 1>} : vector<20x2704xi32>
    %convert_element_type3A_36 = arith.sitofp %iota3A_35 : vector<20x2704xi32> to vector<20x2704xf32>
    %sub3A_37 = vector.broadcast %add3A : vector<20x1xf32> to vector<20x2704xf32>
    %sub3A_38 = arith.subf %sub3A_37, %broadcast_in_dim3A_4 : vector<20x2704xf32>
    %sub3A_39 = vector.broadcast %sub3A : vector<20x1xf32> to vector<20x2704xf32>
    %sub3A_40 = arith.subf %broadcast_in_dim3A_4, %sub3A_39 : vector<20x2704xf32>
    %sub3A_41 = vector.broadcast %add3A_30 : vector<20x1xf32> to vector<20x2704xf32>
    %sub3A_42 = arith.subf %sub3A_41, %broadcast_in_dim3A_9 : vector<20x2704xf32>
    %sub3A_43 = vector.broadcast %sub3A_23 : vector<20x1xf32> to vector<20x2704xf32>
    %sub3A_44 = arith.subf %broadcast_in_dim3A_9, %sub3A_43 : vector<20x2704xf32>
    %broadcast_in_dim3A_45 = arith.constant -1.000000e+00 : f32
    %broadcast_in_dim3A_46 = vector.broadcast %broadcast_in_dim3A_45 : f32 to vector<20x1xf32>
    %broadcast_in_dim3A_47 = arith.constant 0.000000e+00 : f32
    %broadcast_in_dim3A_48 = vector.broadcast %broadcast_in_dim3A_47 : f32 to vector<20x1xf32>
    %get3A_49 = arith.constant 0 : index
    %get3A_50 = arith.constant 0 : index
    %get3A_51 = memref.load %arg6[%get3A_49, %get3A_50] : memref<5x2xf32, #tpu.memory_space<smem>>
    %mul3A_52 = arith.constant 5.000000e-01 : f32
    %mul3A_53 = arith.mulf %get3A_51, %mul3A_52 : f32
    %get3A_54 = arith.constant 0 : index
    %get3A_55 = arith.constant 1 : index
    %get3A_56 = memref.load %arg6[%get3A_54, %get3A_55] : memref<5x2xf32, #tpu.memory_space<smem>>
    %mul3A_57 = arith.constant 5.000000e-01 : f32
    %mul3A_58 = arith.mulf %get3A_56, %mul3A_57 : f32
    %get3A_59 = arith.constant 0 : index
    %get3A_60 = arith.constant 0 : index
    %get3A_61 = memref.load %arg6[%get3A_59, %get3A_60] : memref<5x2xf32, #tpu.memory_space<smem>>
    %get3A_62 = arith.constant 0 : index
    %get3A_63 = arith.constant 1 : index
    %get3A_64 = memref.load %arg6[%get3A_62, %get3A_63] : memref<5x2xf32, #tpu.memory_space<smem>>
    %mul3A_65 = arith.mulf %get3A_61, %get3A_64 : f32
    %add3A_66 = arith.constant 1.000000e-10 : f32
    %add3A_67 = arith.addf %mul3A_65, %add3A_66 : f32
    %add3A_68 = vector.broadcast %add3A_67 : f32 to vector<20x1xf32>
    %add3A_69 = arith.addf %mul3A_33, %add3A_68 : vector<20x1xf32>
    %min3A = vector.broadcast %mul3A_53 : f32 to vector<20x2704xf32>
    %min3A_70 = arith.minimumf %sub3A_38, %min3A : vector<20x2704xf32>
    %min3A_71 = vector.broadcast %mul3A_53 : f32 to vector<20x2704xf32>
    %min3A_72 = arith.minimumf %sub3A_40, %min3A_71 : vector<20x2704xf32>
    %add3A_73 = arith.addf %min3A_70, %min3A_72 : vector<20x2704xf32>
    %max3A = arith.constant 0.000000e+00 : f32
    %max3A_74 = vector.broadcast %max3A : f32 to vector<20x2704xf32>
    %max3A_75 = arith.maximumf %add3A_73, %max3A_74 : vector<20x2704xf32>
    %min3A_76 = vector.broadcast %mul3A_58 : f32 to vector<20x2704xf32>
    %min3A_77 = arith.minimumf %sub3A_42, %min3A_76 : vector<20x2704xf32>
    %min3A_78 = vector.broadcast %mul3A_58 : f32 to vector<20x2704xf32>
    %min3A_79 = arith.minimumf %sub3A_44, %min3A_78 : vector<20x2704xf32>
    %add3A_80 = arith.addf %min3A_77, %min3A_79 : vector<20x2704xf32>
    %max3A_81 = arith.constant 0.000000e+00 : f32
    %max3A_82 = vector.broadcast %max3A_81 : f32 to vector<20x2704xf32>
    %max3A_83 = arith.maximumf %add3A_80, %max3A_82 : vector<20x2704xf32>
    %mul3A_84 = arith.mulf %max3A_75, %max3A_83 : vector<20x2704xf32>
    %sub3A_85 = vector.broadcast %add3A_69 : vector<20x1xf32> to vector<20x2704xf32>
    %sub3A_86 = arith.subf %sub3A_85, %mul3A_84 : vector<20x2704xf32>
    %reciprocal3A = tpu.reciprocal %sub3A_86 {approx = true} : vector<20x2704xf32> -> vector<20x2704xf32>
    %mul3A_87 = arith.mulf %mul3A_84, %reciprocal3A : vector<20x2704xf32>
    %swap3A = arith.constant 0 : index
    %swap3A_88 = arith.constant 0 : index
    %swap3A_89 = arith.constant 0 : index
    %swap3A_90 = vector.load %arg10[%swap3A, %swap3A_88, %swap3A_89] : memref<5x20x2704xf32, #tpu.memory_space<vmem>>, vector<1x20x2704xf32>
    %swap3A_91 = vector.shape_cast %swap3A_90 : vector<1x20x2704xf32> to vector<20x2704xf32>
    %swap3A_92 = vector.shape_cast %mul3A_87 : vector<20x2704xf32> to vector<1x20x2704xf32>
    tpu.vector_store %arg10[%swap3A, %swap3A_88, %swap3A_89], %swap3A_92 {strides = array<i32>} : memref<5x20x2704xf32, #tpu.memory_space<vmem>>, vector<1x20x2704xf32>,
    %reduce_max3A = arith.constant dense<0xFF800000> : vector<20xf32>
    %reduce_max3A_93 = vector.multi_reduction <maximumf>, %mul3A_87, %reduce_max3A [1] : vector<20x2704xf32> to vector<20xf32>
    %broadcast_in_dim3A_94 = vector.shape_cast %reduce_max3A_93 : vector<20xf32> to vector<20x1xf32>
    %eq3A_95 = vector.broadcast %broadcast_in_dim3A_94 : vector<20x1xf32> to vector<20x2704xf32>
    %eq3A_96 = arith.cmpf oeq, %mul3A_87, %eq3A_95 : vector<20x2704xf32>
    %jit3A = arith.constant 1.000000e+09 : f32
    %broadcast_in_dim3A_97 = vector.broadcast %jit3A : f32 to vector<20x2704xf32>
    %select_n3A = arith.select %eq3A_96, %convert_element_type3A_36, %broadcast_in_dim3A_97 : vector<20x2704xi1>, vector<20x2704xf32>
    %reduce_min3A = arith.constant dense<0x7F800000> : vector<20xf32>
    %reduce_min3A_98 = vector.multi_reduction <minimumf>, %select_n3A, %reduce_min3A [1] : vector<20x2704xf32> to vector<20xf32>
    %broadcast_in_dim3A_99 = vector.shape_cast %reduce_min3A_98 : vector<20xf32> to vector<20x1xf32>
    %add3A_100 = arith.constant 0.000000e+00 : f32
    %add3A_101 = vector.broadcast %add3A_100 : f32 to vector<20x1xf32>
    %add3A_102 = arith.addf %broadcast_in_dim3A_99, %add3A_101 : vector<20x1xf32>
    %gt3A = arith.cmpf ogt, %broadcast_in_dim3A_94, %broadcast_in_dim3A_46 : vector<20x1xf32>
    %select_n3A_103 = arith.select %gt3A, %broadcast_in_dim3A_94, %broadcast_in_dim3A_46 : vector<20x1xi1>, vector<20x1xf32>
    %select_n3A_104 = arith.select %gt3A, %add3A_102, %broadcast_in_dim3A_48 : vector<20x1xi1>, vector<20x1xf32>
    %get3A_105 = arith.constant 1 : index
    %get3A_106 = arith.constant 0 : index
    %get3A_107 = memref.load %arg6[%get3A_105, %get3A_106] : memref<5x2xf32, #tpu.memory_space<smem>>
    %mul3A_108 = arith.constant 5.000000e-01 : f32
    %mul3A_109 = arith.mulf %get3A_107, %mul3A_108 : f32
    %get3A_110 = arith.constant 1 : index
    %get3A_111 = arith.constant 1 : index
    %get3A_112 = memref.load %arg6[%get3A_110, %get3A_111] : memref<5x2xf32, #tpu.memory_space<smem>>
    %mul3A_113 = arith.constant 5.000000e-01 : f32
    %mul3A_114 = arith.mulf %get3A_112, %mul3A_113 : f32
    %get3A_115 = arith.constant 1 : index
    %get3A_116 = arith.constant 0 : index
    %get3A_117 = memref.load %arg6[%get3A_115, %get3A_116] : memref<5x2xf32, #tpu.memory_space<smem>>
    %get3A_118 = arith.constant 1 : index
    %get3A_119 = arith.constant 1 : index
    %get3A_120 = memref.load %arg6[%get3A_118, %get3A_119] : memref<5x2xf32, #tpu.memory_space<smem>>
    %mul3A_121 = arith.mulf %get3A_117, %get3A_120 : f32
    %add3A_122 = arith.constant 1.000000e-10 : f32
    %add3A_123 = arith.addf %mul3A_121, %add3A_122 : f32
    %add3A_124 = vector.broadcast %add3A_123 : f32 to vector<20x1xf32>
    %add3A_125 = arith.addf %mul3A_33, %add3A_124 : vector<20x1xf32>
    %min3A_126 = vector.broadcast %mul3A_109 : f32 to vector<20x2704xf32>
    %min3A_127 = arith.minimumf %sub3A_38, %min3A_126 : vector<20x2704xf32>
    %min3A_128 = vector.broadcast %mul3A_109 : f32 to vector<20x2704xf32>
    %min3A_129 = arith.minimumf %sub3A_40, %min3A_128 : vector<20x2704xf32>
    %add3A_130 = arith.addf %min3A_127, %min3A_129 : vector<20x2704xf32>
    %max3A_131 = arith.constant 0.000000e+00 : f32
    %max3A_132 = vector.broadcast %max3A_131 : f32 to vector<20x2704xf32>
    %max3A_133 = arith.maximumf %add3A_130, %max3A_132 : vector<20x2704xf32>
    %min3A_134 = vector.broadcast %mul3A_114 : f32 to vector<20x2704xf32>
    %min3A_135 = arith.minimumf %sub3A_42, %min3A_134 : vector<20x2704xf32>
    %min3A_136 = vector.broadcast %mul3A_114 : f32 to vector<20x2704xf32>
    %min3A_137 = arith.minimumf %sub3A_44, %min3A_136 : vector<20x2704xf32>
    %add3A_138 = arith.addf %min3A_135, %min3A_137 : vector<20x2704xf32>
    %max3A_139 = arith.constant 0.000000e+00 : f32
    %max3A_140 = vector.broadcast %max3A_139 : f32 to vector<20x2704xf32>
    %max3A_141 = arith.maximumf %add3A_138, %max3A_140 : vector<20x2704xf32>
    %mul3A_142 = arith.mulf %max3A_133, %max3A_141 : vector<20x2704xf32>
    %sub3A_143 = vector.broadcast %add3A_125 : vector<20x1xf32> to vector<20x2704xf32>
    %sub3A_144 = arith.subf %sub3A_143, %mul3A_142 : vector<20x2704xf32>
    %reciprocal3A_145 = tpu.reciprocal %sub3A_144 {approx = true} : vector<20x2704xf32> -> vector<20x2704xf32>
    %mul3A_146 = arith.mulf %mul3A_142, %reciprocal3A_145 : vector<20x2704xf32>
    %swap3A_147 = arith.constant 1 : index
    %swap3A_148 = arith.constant 0 : index
    %swap3A_149 = arith.constant 0 : index
    %swap3A_150 = vector.load %arg10[%swap3A_147, %swap3A_148, %swap3A_149] : memref<5x20x2704xf32, #tpu.memory_space<vmem>>, vector<1x20x2704xf32>
    %swap3A_151 = vector.shape_cast %swap3A_150 : vector<1x20x2704xf32> to vector<20x2704xf32>
    %swap3A_152 = vector.shape_cast %mul3A_146 : vector<20x2704xf32> to vector<1x20x2704xf32>
    tpu.vector_store %arg10[%swap3A_147, %swap3A_148, %swap3A_149], %swap3A_152 {strides = array<i32>} : memref<5x20x2704xf32, #tpu.memory_space<vmem>>, vector<1x20x2704xf32>,
    %reduce_max3A_153 = arith.constant dense<0xFF800000> : vector<20xf32>
    %reduce_max3A_154 = vector.multi_reduction <maximumf>, %mul3A_146, %reduce_max3A_153 [1] : vector<20x2704xf32> to vector<20xf32>
    %broadcast_in_dim3A_155 = vector.shape_cast %reduce_max3A_154 : vector<20xf32> to vector<20x1xf32>
    %eq3A_156 = vector.broadcast %broadcast_in_dim3A_155 : vector<20x1xf32> to vector<20x2704xf32>
    %eq3A_157 = arith.cmpf oeq, %mul3A_146, %eq3A_156 : vector<20x2704xf32>
    %jit3A_158 = arith.constant 1.000000e+09 : f32
    %broadcast_in_dim3A_159 = vector.broadcast %jit3A_158 : f32 to vector<20x2704xf32>
    %select_n3A_160 = arith.select %eq3A_157, %convert_element_type3A_36, %broadcast_in_dim3A_159 : vector<20x2704xi1>, vector<20x2704xf32>
    %reduce_min3A_161 = arith.constant dense<0x7F800000> : vector<20xf32>
    %reduce_min3A_162 = vector.multi_reduction <minimumf>, %select_n3A_160, %reduce_min3A_161 [1] : vector<20x2704xf32> to vector<20xf32>
    %broadcast_in_dim3A_163 = vector.shape_cast %reduce_min3A_162 : vector<20xf32> to vector<20x1xf32>
    %add3A_164 = arith.constant 2.704000e+03 : f32
    %add3A_165 = vector.broadcast %add3A_164 : f32 to vector<20x1xf32>
    %add3A_166 = arith.addf %broadcast_in_dim3A_163, %add3A_165 : vector<20x1xf32>
    %gt3A_167 = arith.cmpf ogt, %broadcast_in_dim3A_155, %select_n3A_103 : vector<20x1xf32>
    %select_n3A_168 = arith.select %gt3A_167, %broadcast_in_dim3A_155, %select_n3A_103 : vector<20x1xi1>, vector<20x1xf32>
    %select_n3A_169 = arith.select %gt3A_167, %add3A_166, %select_n3A_104 : vector<20x1xi1>, vector<20x1xf32>
    %get3A_170 = arith.constant 2 : index
    %get3A_171 = arith.constant 0 : index
    %get3A_172 = memref.load %arg6[%get3A_170, %get3A_171] : memref<5x2xf32, #tpu.memory_space<smem>>
    %mul3A_173 = arith.constant 5.000000e-01 : f32
    %mul3A_174 = arith.mulf %get3A_172, %mul3A_173 : f32
    %get3A_175 = arith.constant 2 : index
    %get3A_176 = arith.constant 1 : index
    %get3A_177 = memref.load %arg6[%get3A_175, %get3A_176] : memref<5x2xf32, #tpu.memory_space<smem>>
    %mul3A_178 = arith.constant 5.000000e-01 : f32
    %mul3A_179 = arith.mulf %get3A_177, %mul3A_178 : f32
    %get3A_180 = arith.constant 2 : index
    %get3A_181 = arith.constant 0 : index
    %get3A_182 = memref.load %arg6[%get3A_180, %get3A_181] : memref<5x2xf32, #tpu.memory_space<smem>>
    %get3A_183 = arith.constant 2 : index
    %get3A_184 = arith.constant 1 : index
    %get3A_185 = memref.load %arg6[%get3A_183, %get3A_184] : memref<5x2xf32, #tpu.memory_space<smem>>
    %mul3A_186 = arith.mulf %get3A_182, %get3A_185 : f32
    %add3A_187 = arith.constant 1.000000e-10 : f32
    %add3A_188 = arith.addf %mul3A_186, %add3A_187 : f32
    %add3A_189 = vector.broadcast %add3A_188 : f32 to vector<20x1xf32>
    %add3A_190 = arith.addf %mul3A_33, %add3A_189 : vector<20x1xf32>
    %min3A_191 = vector.broadcast %mul3A_174 : f32 to vector<20x2704xf32>
    %min3A_192 = arith.minimumf %sub3A_38, %min3A_191 : vector<20x2704xf32>
    %min3A_193 = vector.broadcast %mul3A_174 : f32 to vector<20x2704xf32>
    %min3A_194 = arith.minimumf %sub3A_40, %min3A_193 : vector<20x2704xf32>
    %add3A_195 = arith.addf %min3A_192, %min3A_194 : vector<20x2704xf32>
    %max3A_196 = arith.constant 0.000000e+00 : f32
    %max3A_197 = vector.broadcast %max3A_196 : f32 to vector<20x2704xf32>
    %max3A_198 = arith.maximumf %add3A_195, %max3A_197 : vector<20x2704xf32>
    %min3A_199 = vector.broadcast %mul3A_179 : f32 to vector<20x2704xf32>
    %min3A_200 = arith.minimumf %sub3A_42, %min3A_199 : vector<20x2704xf32>
    %min3A_201 = vector.broadcast %mul3A_179 : f32 to vector<20x2704xf32>
    %min3A_202 = arith.minimumf %sub3A_44, %min3A_201 : vector<20x2704xf32>
    %add3A_203 = arith.addf %min3A_200, %min3A_202 : vector<20x2704xf32>
    %max3A_204 = arith.constant 0.000000e+00 : f32
    %max3A_205 = vector.broadcast %max3A_204 : f32 to vector<20x2704xf32>
    %max3A_206 = arith.maximumf %add3A_203, %max3A_205 : vector<20x2704xf32>
    %mul3A_207 = arith.mulf %max3A_198, %max3A_206 : vector<20x2704xf32>
    %sub3A_208 = vector.broadcast %add3A_190 : vector<20x1xf32> to vector<20x2704xf32>
    %sub3A_209 = arith.subf %sub3A_208, %mul3A_207 : vector<20x2704xf32>
    %reciprocal3A_210 = tpu.reciprocal %sub3A_209 {approx = true} : vector<20x2704xf32> -> vector<20x2704xf32>
    %mul3A_211 = arith.mulf %mul3A_207, %reciprocal3A_210 : vector<20x2704xf32>
    %swap3A_212 = arith.constant 2 : index
    %swap3A_213 = arith.constant 0 : index
    %swap3A_214 = arith.constant 0 : index
    %swap3A_215 = vector.load %arg10[%swap3A_212, %swap3A_213, %swap3A_214] : memref<5x20x2704xf32, #tpu.memory_space<vmem>>, vector<1x20x2704xf32>
    %swap3A_216 = vector.shape_cast %swap3A_215 : vector<1x20x2704xf32> to vector<20x2704xf32>
    %swap3A_217 = vector.shape_cast %mul3A_211 : vector<20x2704xf32> to vector<1x20x2704xf32>
    tpu.vector_store %arg10[%swap3A_212, %swap3A_213, %swap3A_214], %swap3A_217 {strides = array<i32>} : memref<5x20x2704xf32, #tpu.memory_space<vmem>>, vector<1x20x2704xf32>,
    %reduce_max3A_218 = arith.constant dense<0xFF800000> : vector<20xf32>
    %reduce_max3A_219 = vector.multi_reduction <maximumf>, %mul3A_211, %reduce_max3A_218 [1] : vector<20x2704xf32> to vector<20xf32>
    %broadcast_in_dim3A_220 = vector.shape_cast %reduce_max3A_219 : vector<20xf32> to vector<20x1xf32>
    %eq3A_221 = vector.broadcast %broadcast_in_dim3A_220 : vector<20x1xf32> to vector<20x2704xf32>
    %eq3A_222 = arith.cmpf oeq, %mul3A_211, %eq3A_221 : vector<20x2704xf32>
    %jit3A_223 = arith.constant 1.000000e+09 : f32
    %broadcast_in_dim3A_224 = vector.broadcast %jit3A_223 : f32 to vector<20x2704xf32>
    %select_n3A_225 = arith.select %eq3A_222, %convert_element_type3A_36, %broadcast_in_dim3A_224 : vector<20x2704xi1>, vector<20x2704xf32>
    %reduce_min3A_226 = arith.constant dense<0x7F800000> : vector<20xf32>
    %reduce_min3A_227 = vector.multi_reduction <minimumf>, %select_n3A_225, %reduce_min3A_226 [1] : vector<20x2704xf32> to vector<20xf32>
    %broadcast_in_dim3A_228 = vector.shape_cast %reduce_min3A_227 : vector<20xf32> to vector<20x1xf32>
    %add3A_229 = arith.constant 5.408000e+03 : f32
    %add3A_230 = vector.broadcast %add3A_229 : f32 to vector<20x1xf32>
    %add3A_231 = arith.addf %broadcast_in_dim3A_228, %add3A_230 : vector<20x1xf32>
    %gt3A_232 = arith.cmpf ogt, %broadcast_in_dim3A_220, %select_n3A_168 : vector<20x1xf32>
    %select_n3A_233 = arith.select %gt3A_232, %broadcast_in_dim3A_220, %select_n3A_168 : vector<20x1xi1>, vector<20x1xf32>
    %select_n3A_234 = arith.select %gt3A_232, %add3A_231, %select_n3A_169 : vector<20x1xi1>, vector<20x1xf32>
    %get3A_235 = arith.constant 3 : index
    %get3A_236 = arith.constant 0 : index
    %get3A_237 = memref.load %arg6[%get3A_235, %get3A_236] : memref<5x2xf32, #tpu.memory_space<smem>>
    %mul3A_238 = arith.constant 5.000000e-01 : f32
    %mul3A_239 = arith.mulf %get3A_237, %mul3A_238 : f32
    %get3A_240 = arith.constant 3 : index
    %get3A_241 = arith.constant 1 : index
    %get3A_242 = memref.load %arg6[%get3A_240, %get3A_241] : memref<5x2xf32, #tpu.memory_space<smem>>
    %mul3A_243 = arith.constant 5.000000e-01 : f32
    %mul3A_244 = arith.mulf %get3A_242, %mul3A_243 : f32
    %get3A_245 = arith.constant 3 : index
    %get3A_246 = arith.constant 0 : index
    %get3A_247 = memref.load %arg6[%get3A_245, %get3A_246] : memref<5x2xf32, #tpu.memory_space<smem>>
    %get3A_248 = arith.constant 3 : index
    %get3A_249 = arith.constant 1 : index
    %get3A_250 = memref.load %arg6[%get3A_248, %get3A_249] : memref<5x2xf32, #tpu.memory_space<smem>>
    %mul3A_251 = arith.mulf %get3A_247, %get3A_250 : f32
    %add3A_252 = arith.constant 1.000000e-10 : f32
    %add3A_253 = arith.addf %mul3A_251, %add3A_252 : f32
    %add3A_254 = vector.broadcast %add3A_253 : f32 to vector<20x1xf32>
    %add3A_255 = arith.addf %mul3A_33, %add3A_254 : vector<20x1xf32>
    %min3A_256 = vector.broadcast %mul3A_239 : f32 to vector<20x2704xf32>
    %min3A_257 = arith.minimumf %sub3A_38, %min3A_256 : vector<20x2704xf32>
    %min3A_258 = vector.broadcast %mul3A_239 : f32 to vector<20x2704xf32>
    %min3A_259 = arith.minimumf %sub3A_40, %min3A_258 : vector<20x2704xf32>
    %add3A_260 = arith.addf %min3A_257, %min3A_259 : vector<20x2704xf32>
    %max3A_261 = arith.constant 0.000000e+00 : f32
    %max3A_262 = vector.broadcast %max3A_261 : f32 to vector<20x2704xf32>
    %max3A_263 = arith.maximumf %add3A_260, %max3A_262 : vector<20x2704xf32>
    %min3A_264 = vector.broadcast %mul3A_244 : f32 to vector<20x2704xf32>
    %min3A_265 = arith.minimumf %sub3A_42, %min3A_264 : vector<20x2704xf32>
    %min3A_266 = vector.broadcast %mul3A_244 : f32 to vector<20x2704xf32>
    %min3A_267 = arith.minimumf %sub3A_44, %min3A_266 : vector<20x2704xf32>
    %add3A_268 = arith.addf %min3A_265, %min3A_267 : vector<20x2704xf32>
    %max3A_269 = arith.constant 0.000000e+00 : f32
    %max3A_270 = vector.broadcast %max3A_269 : f32 to vector<20x2704xf32>
    %max3A_271 = arith.maximumf %add3A_268, %max3A_270 : vector<20x2704xf32>
    %mul3A_272 = arith.mulf %max3A_263, %max3A_271 : vector<20x2704xf32>
    %sub3A_273 = vector.broadcast %add3A_255 : vector<20x1xf32> to vector<20x2704xf32>
    %sub3A_274 = arith.subf %sub3A_273, %mul3A_272 : vector<20x2704xf32>
    %reciprocal3A_275 = tpu.reciprocal %sub3A_274 {approx = true} : vector<20x2704xf32> -> vector<20x2704xf32>
    %mul3A_276 = arith.mulf %mul3A_272, %reciprocal3A_275 : vector<20x2704xf32>
    %swap3A_277 = arith.constant 3 : index
    %swap3A_278 = arith.constant 0 : index
    %swap3A_279 = arith.constant 0 : index
    %swap3A_280 = vector.load %arg10[%swap3A_277, %swap3A_278, %swap3A_279] : memref<5x20x2704xf32, #tpu.memory_space<vmem>>, vector<1x20x2704xf32>
    %swap3A_281 = vector.shape_cast %swap3A_280 : vector<1x20x2704xf32> to vector<20x2704xf32>
    %swap3A_282 = vector.shape_cast %mul3A_276 : vector<20x2704xf32> to vector<1x20x2704xf32>
    tpu.vector_store %arg10[%swap3A_277, %swap3A_278, %swap3A_279], %swap3A_282 {strides = array<i32>} : memref<5x20x2704xf32, #tpu.memory_space<vmem>>, vector<1x20x2704xf32>,
    %reduce_max3A_283 = arith.constant dense<0xFF800000> : vector<20xf32>
    %reduce_max3A_284 = vector.multi_reduction <maximumf>, %mul3A_276, %reduce_max3A_283 [1] : vector<20x2704xf32> to vector<20xf32>
    %broadcast_in_dim3A_285 = vector.shape_cast %reduce_max3A_284 : vector<20xf32> to vector<20x1xf32>
    %eq3A_286 = vector.broadcast %broadcast_in_dim3A_285 : vector<20x1xf32> to vector<20x2704xf32>
    %eq3A_287 = arith.cmpf oeq, %mul3A_276, %eq3A_286 : vector<20x2704xf32>
    %jit3A_288 = arith.constant 1.000000e+09 : f32
    %broadcast_in_dim3A_289 = vector.broadcast %jit3A_288 : f32 to vector<20x2704xf32>
    %select_n3A_290 = arith.select %eq3A_287, %convert_element_type3A_36, %broadcast_in_dim3A_289 : vector<20x2704xi1>, vector<20x2704xf32>
    %reduce_min3A_291 = arith.constant dense<0x7F800000> : vector<20xf32>
    %reduce_min3A_292 = vector.multi_reduction <minimumf>, %select_n3A_290, %reduce_min3A_291 [1] : vector<20x2704xf32> to vector<20xf32>
    %broadcast_in_dim3A_293 = vector.shape_cast %reduce_min3A_292 : vector<20xf32> to vector<20x1xf32>
    %add3A_294 = arith.constant 8.112000e+03 : f32
    %add3A_295 = vector.broadcast %add3A_294 : f32 to vector<20x1xf32>
    %add3A_296 = arith.addf %broadcast_in_dim3A_293, %add3A_295 : vector<20x1xf32>
    %gt3A_297 = arith.cmpf ogt, %broadcast_in_dim3A_285, %select_n3A_233 : vector<20x1xf32>
    %select_n3A_298 = arith.select %gt3A_297, %broadcast_in_dim3A_285, %select_n3A_233 : vector<20x1xi1>, vector<20x1xf32>
    %select_n3A_299 = arith.select %gt3A_297, %add3A_296, %select_n3A_234 : vector<20x1xi1>, vector<20x1xf32>
    %get3A_300 = arith.constant 4 : index
    %get3A_301 = arith.constant 0 : index
    %get3A_302 = memref.load %arg6[%get3A_300, %get3A_301] : memref<5x2xf32, #tpu.memory_space<smem>>
    %mul3A_303 = arith.constant 5.000000e-01 : f32
    %mul3A_304 = arith.mulf %get3A_302, %mul3A_303 : f32
    %get3A_305 = arith.constant 4 : index
    %get3A_306 = arith.constant 1 : index
    %get3A_307 = memref.load %arg6[%get3A_305, %get3A_306] : memref<5x2xf32, #tpu.memory_space<smem>>
    %mul3A_308 = arith.constant 5.000000e-01 : f32
    %mul3A_309 = arith.mulf %get3A_307, %mul3A_308 : f32
    %get3A_310 = arith.constant 4 : index
    %get3A_311 = arith.constant 0 : index
    %get3A_312 = memref.load %arg6[%get3A_310, %get3A_311] : memref<5x2xf32, #tpu.memory_space<smem>>
    %get3A_313 = arith.constant 4 : index
    %get3A_314 = arith.constant 1 : index
    %get3A_315 = memref.load %arg6[%get3A_313, %get3A_314] : memref<5x2xf32, #tpu.memory_space<smem>>
    %mul3A_316 = arith.mulf %get3A_312, %get3A_315 : f32
    %add3A_317 = arith.constant 1.000000e-10 : f32
    %add3A_318 = arith.addf %mul3A_316, %add3A_317 : f32
    %add3A_319 = vector.broadcast %add3A_318 : f32 to vector<20x1xf32>
    %add3A_320 = arith.addf %mul3A_33, %add3A_319 : vector<20x1xf32>
    %min3A_321 = vector.broadcast %mul3A_304 : f32 to vector<20x2704xf32>
    %min3A_322 = arith.minimumf %sub3A_38, %min3A_321 : vector<20x2704xf32>
    %min3A_323 = vector.broadcast %mul3A_304 : f32 to vector<20x2704xf32>
    %min3A_324 = arith.minimumf %sub3A_40, %min3A_323 : vector<20x2704xf32>
    %add3A_325 = arith.addf %min3A_322, %min3A_324 : vector<20x2704xf32>
    %max3A_326 = arith.constant 0.000000e+00 : f32
    %max3A_327 = vector.broadcast %max3A_326 : f32 to vector<20x2704xf32>
    %max3A_328 = arith.maximumf %add3A_325, %max3A_327 : vector<20x2704xf32>
    %min3A_329 = vector.broadcast %mul3A_309 : f32 to vector<20x2704xf32>
    %min3A_330 = arith.minimumf %sub3A_42, %min3A_329 : vector<20x2704xf32>
    %min3A_331 = vector.broadcast %mul3A_309 : f32 to vector<20x2704xf32>
    %min3A_332 = arith.minimumf %sub3A_44, %min3A_331 : vector<20x2704xf32>
    %add3A_333 = arith.addf %min3A_330, %min3A_332 : vector<20x2704xf32>
    %max3A_334 = arith.constant 0.000000e+00 : f32
    %max3A_335 = vector.broadcast %max3A_334 : f32 to vector<20x2704xf32>
    %max3A_336 = arith.maximumf %add3A_333, %max3A_335 : vector<20x2704xf32>
    %mul3A_337 = arith.mulf %max3A_328, %max3A_336 : vector<20x2704xf32>
    %sub3A_338 = vector.broadcast %add3A_320 : vector<20x1xf32> to vector<20x2704xf32>
    %sub3A_339 = arith.subf %sub3A_338, %mul3A_337 : vector<20x2704xf32>
    %reciprocal3A_340 = tpu.reciprocal %sub3A_339 {approx = true} : vector<20x2704xf32> -> vector<20x2704xf32>
    %mul3A_341 = arith.mulf %mul3A_337, %reciprocal3A_340 : vector<20x2704xf32>
    %swap3A_342 = arith.constant 4 : index
    %swap3A_343 = arith.constant 0 : index
    %swap3A_344 = arith.constant 0 : index
    %swap3A_345 = vector.load %arg10[%swap3A_342, %swap3A_343, %swap3A_344] : memref<5x20x2704xf32, #tpu.memory_space<vmem>>, vector<1x20x2704xf32>
    %swap3A_346 = vector.shape_cast %swap3A_345 : vector<1x20x2704xf32> to vector<20x2704xf32>
    %swap3A_347 = vector.shape_cast %mul3A_341 : vector<20x2704xf32> to vector<1x20x2704xf32>
    tpu.vector_store %arg10[%swap3A_342, %swap3A_343, %swap3A_344], %swap3A_347 {strides = array<i32>} : memref<5x20x2704xf32, #tpu.memory_space<vmem>>, vector<1x20x2704xf32>,
    %reduce_max3A_348 = arith.constant dense<0xFF800000> : vector<20xf32>
    %reduce_max3A_349 = vector.multi_reduction <maximumf>, %mul3A_341, %reduce_max3A_348 [1] : vector<20x2704xf32> to vector<20xf32>
    %broadcast_in_dim3A_350 = vector.shape_cast %reduce_max3A_349 : vector<20xf32> to vector<20x1xf32>
    %eq3A_351 = vector.broadcast %broadcast_in_dim3A_350 : vector<20x1xf32> to vector<20x2704xf32>
    %eq3A_352 = arith.cmpf oeq, %mul3A_341, %eq3A_351 : vector<20x2704xf32>
    %jit3A_353 = arith.constant 1.000000e+09 : f32
    %broadcast_in_dim3A_354 = vector.broadcast %jit3A_353 : f32 to vector<20x2704xf32>
    %select_n3A_355 = arith.select %eq3A_352, %convert_element_type3A_36, %broadcast_in_dim3A_354 : vector<20x2704xi1>, vector<20x2704xf32>
    %reduce_min3A_356 = arith.constant dense<0x7F800000> : vector<20xf32>
    %reduce_min3A_357 = vector.multi_reduction <minimumf>, %select_n3A_355, %reduce_min3A_356 [1] : vector<20x2704xf32> to vector<20xf32>
    %broadcast_in_dim3A_358 = vector.shape_cast %reduce_min3A_357 : vector<20xf32> to vector<20x1xf32>
    %add3A_359 = arith.constant 1.081600e+04 : f32
    %add3A_360 = vector.broadcast %add3A_359 : f32 to vector<20x1xf32>
    %add3A_361 = arith.addf %broadcast_in_dim3A_358, %add3A_360 : vector<20x1xf32>
    %gt3A_362 = arith.cmpf ogt, %broadcast_in_dim3A_350, %select_n3A_298 : vector<20x1xf32>
    %select_n3A_363 = arith.select %gt3A_362, %add3A_361, %select_n3A_299 : vector<20x1xi1>, vector<20x1xf32>
    %get3A_364 = arith.constant 0 : index
    %get3A_365 = arith.constant 0 : index
    %get3A_366 = arith.constant 0 : index
    %get3A_367 = vector.load %arg3[%get3A_364, %get3A_365, %get3A_366] : memref<1x5x20xf32, #tpu.memory_space<vmem>>, vector<1x5x20xf32>
    %get3A_368 = vector.shape_cast %get3A_367 : vector<1x5x20xf32> to vector<5x20xf32>
    %slice3A_369 = vector.extract_strided_slice %get3A_368 {offsets = [0, 0], sizes = [4, 20], strides = [1, 1]} : vector<5x20xf32> to vector<4x20xf32>
    %convert_element_type3A_370 = arith.truncf %slice3A_369 : vector<4x20xf32> to vector<4x20xbf16>
    %slice3A_371 = vector.extract_strided_slice %get3A_14 {offsets = [0, 4], sizes = [20, 1], strides = [1, 1]} : vector<20x5xf32> to vector<20x1xf32>
    %iota3A_372 = tpu.iota {dimensions = array<i32: 1>} : vector<20x20xi32>
    %convert_element_type3A_373 = arith.sitofp %iota3A_372 : vector<20x20xi32> to vector<20x20xf32>
    %eq3A_374 = vector.broadcast %slice3A_371 : vector<20x1xf32> to vector<20x20xf32>
    %eq3A_375 = arith.cmpf oeq, %eq3A_374, %convert_element_type3A_373 : vector<20x20xf32>
    %jit3A_376 = arith.constant 1.000000e+00 : f32
    %jit3A_377 = arith.constant 0.000000e+00 : f32
    %broadcast_in_dim3A_378 = vector.broadcast %jit3A_376 : f32 to vector<20x20xf32>
    %broadcast_in_dim3A_379 = vector.broadcast %jit3A_377 : f32 to vector<20x20xf32>
    %select_n3A_380 = arith.select %eq3A_375, %broadcast_in_dim3A_378, %broadcast_in_dim3A_379 : vector<20x20xi1>, vector<20x20xf32>
    %convert_element_type3A_381 = arith.truncf %select_n3A_380 : vector<20x20xf32> to vector<20x20xbf16>
    %broadcast_in_dim3A_382 = arith.constant 1.000000e+00 : bf16
    %broadcast_in_dim3A_383 = vector.broadcast %broadcast_in_dim3A_382 : bf16 to vector<1x20xbf16>
    %mul3A_384 = arith.constant 0.00999999977 : f32
    %mul3A_385 = vector.broadcast %mul3A_384 : f32 to vector<20x2704xf32>
    %mul3A_386 = arith.mulf %mul3A_385, %convert_element_type3A_34 : vector<20x2704xf32>
    %add3A_387 = arith.constant 3.000000e+00 : f32
    %add3A_388 = vector.broadcast %add3A_387 : f32 to vector<20x2704xf32>
    %add3A_389 = arith.addf %add3A_388, %mul3A_386 : vector<20x2704xf32>
    %broadcast_in_dim3A_390 = arith.constant 0.000000e+00 : f32
    %broadcast_in_dim3A_391 = vector.broadcast %broadcast_in_dim3A_390 : f32 to vector<1x2704xf32>
    %sub3A_392 = arith.constant 0.000000e+00 : f32
    %sub3A_393 = vector.broadcast %sub3A_392 : f32 to vector<20x1xf32>
    %sub3A_394 = arith.subf %select_n3A_363, %sub3A_393 : vector<20x1xf32>
    %eq3A_395 = vector.broadcast %sub3A_394 : vector<20x1xf32> to vector<20x2704xf32>
    %eq3A_396 = arith.cmpf oeq, %eq3A_395, %convert_element_type3A_36 : vector<20x2704xf32>
    %get3A_397 = arith.constant 0 : index
    %get3A_398 = arith.constant 0 : index
    %get3A_399 = arith.constant 0 : index
    %get3A_400 = vector.load %arg10[%get3A_397, %get3A_398, %get3A_399] : memref<5x20x2704xf32, #tpu.memory_space<vmem>>, vector<1x20x2704xf32>
    %get3A_401 = vector.shape_cast %get3A_400 : vector<1x20x2704xf32> to vector<20x2704xf32>
    %select_n3A_402 = arith.select %eq3A_396, %add3A_389, %get3A_401 : vector<20x2704xi1>, vector<20x2704xf32>
    %reduce_max3A_403 = arith.constant dense<0xFF800000> : vector<2704xf32>
    %reduce_max3A_404 = vector.multi_reduction <maximumf>, %select_n3A_402, %reduce_max3A_403 [0] : vector<20x2704xf32> to vector<2704xf32>
    %broadcast_in_dim3A_405 = vector.shape_cast %reduce_max3A_404 : vector<2704xf32> to vector<1x2704xf32>
    %swap3A_406 = arith.constant 0 : index
    %swap3A_407 = arith.constant 0 : index
    %swap3A_408 = vector.load %arg9[%swap3A_406, %swap3A_407] : memref<8x2704xf32, #tpu.memory_space<vmem>>, vector<1x2704xf32>
    tpu.vector_store %arg9[%swap3A_406, %swap3A_407], %broadcast_in_dim3A_405 {strides = array<i32>} : memref<8x2704xf32, #tpu.memory_space<vmem>>, vector<1x2704xf32>,
    %gt3A_409 = arith.constant 6.000000e-01 : f32
    %gt3A_410 = vector.broadcast %gt3A_409 : f32 to vector<1x2704xf32>
    %gt3A_411 = arith.cmpf ogt, %broadcast_in_dim3A_405, %gt3A_410 : vector<1x2704xf32>
    %convert_element_type3A_412 = arith.extui %gt3A_411 : vector<1x2704xi1> to vector<1x2704xi32>
    %convert_element_type3A_413 = arith.sitofp %convert_element_type3A_412 : vector<1x2704xi32> to vector<1x2704xf32>
    %eq3A_414 = vector.broadcast %broadcast_in_dim3A_405 : vector<1x2704xf32> to vector<20x2704xf32>
    %eq3A_415 = arith.cmpf oeq, %select_n3A_402, %eq3A_414 : vector<20x2704xf32>
    %jit3A_416 = arith.constant 1.000000e+00 : f32
    %jit3A_417 = arith.constant 0.000000e+00 : f32
    %broadcast_in_dim3A_418 = vector.broadcast %jit3A_416 : f32 to vector<20x2704xf32>
    %broadcast_in_dim3A_419 = vector.broadcast %jit3A_417 : f32 to vector<20x2704xf32>
    %select_n3A_420 = arith.select %eq3A_415, %broadcast_in_dim3A_418, %broadcast_in_dim3A_419 : vector<20x2704xi1>, vector<20x2704xf32>
    %convert_element_type3A_421 = arith.truncf %select_n3A_420 : vector<20x2704xf32> to vector<20x2704xbf16>
    %dot_general3A = arith.constant dense<0.000000e+00> : vector<4x2704xf32>
    %dot_general3A_422 = tpu.matmul %convert_element_type3A_370, %convert_element_type3A_421, %dot_general3A {dimension_numbers = #tpu.dot_dimension_numbers<[1], [0], [0], [1], [0, 0, 1, 1], [], []>, transpose_lhs_hint = false} : vector<4x20xbf16>, vector<20x2704xbf16>, vector<4x2704xf32> -> vector<4x2704xf32>
    %swap3A_423 = arith.constant 0 : index
    %swap3A_424 = arith.constant 0 : index
    %swap3A_425 = arith.constant 0 : index
    %swap3A_426 = vector.load %arg11[%swap3A_423, %swap3A_424, %swap3A_425] : memref<5x8x2704xf32, #tpu.memory_space<vmem>>, vector<1x4x2704xf32>
    %swap3A_427 = vector.shape_cast %swap3A_426 : vector<1x4x2704xf32> to vector<4x2704xf32>
    %swap3A_428 = vector.shape_cast %dot_general3A_422 : vector<4x2704xf32> to vector<1x4x2704xf32>
    tpu.vector_store %arg11[%swap3A_423, %swap3A_424, %swap3A_425], %swap3A_428 {strides = array<i32>} : memref<5x8x2704xf32, #tpu.memory_space<vmem>>, vector<1x4x2704xf32>,
    %get3A_429 = arith.constant 0 : index
    %get3A_430 = arith.constant 0 : index
    %get3A_431 = arith.constant 5 : index
    %get3A_432 = arith.constant 0 : index
    %get3A_433 = vector.load %arg1[%get3A_429, %get3A_430, %get3A_431, %get3A_432] : memref<1x5x25x2704xf32, #tpu.memory_space<vmem>>, vector<1x1x20x2704xf32>
    %get3A_434 = vector.shape_cast %get3A_433 : vector<1x1x20x2704xf32> to vector<20x2704xf32>
    %exp3A = math.exp %get3A_434 : vector<20x2704xf32>
    %convert_element_type3A_435 = arith.truncf %exp3A : vector<20x2704xf32> to vector<20x2704xbf16>
    %dot_general3A_436 = arith.constant dense<0.000000e+00> : vector<1x2704xf32>
    %dot_general3A_437 = tpu.matmul %broadcast_in_dim3A_383, %convert_element_type3A_435, %dot_general3A_436 {dimension_numbers = #tpu.dot_dimension_numbers<[1], [0], [0], [1], [0, 0, 1, 1], [], []>, transpose_lhs_hint = false} : vector<1x20xbf16>, vector<20x2704xbf16>, vector<1x2704xf32> -> vector<1x2704xf32>
    %mul3A_438 = arith.mulf %convert_element_type3A_435, %convert_element_type3A_435 : vector<20x2704xbf16>
    %dot_general3A_439 = arith.constant dense<0.000000e+00> : vector<1x2704xf32>
    %dot_general3A_440 = tpu.matmul %broadcast_in_dim3A_383, %mul3A_438, %dot_general3A_439 {dimension_numbers = #tpu.dot_dimension_numbers<[1], [0], [0], [1], [0, 0, 1, 1], [], []>, transpose_lhs_hint = false} : vector<1x20xbf16>, vector<20x2704xbf16>, vector<1x2704xf32> -> vector<1x2704xf32>
    %dot_general3A_441 = arith.constant dense<0.000000e+00> : vector<20x2704xf32>
    %dot_general3A_442 = tpu.matmul %convert_element_type3A_381, %convert_element_type3A_435, %dot_general3A_441 {dimension_numbers = #tpu.dot_dimension_numbers<[1], [0], [0], [1], [0, 0, 1, 1], [], []>, transpose_lhs_hint = false} : vector<20x20xbf16>, vector<20x2704xbf16>, vector<20x2704xf32> -> vector<20x2704xf32>
    %convert_element_type3A_443 = arith.truncf %dot_general3A_442 : vector<20x2704xf32> to vector<20x2704xbf16>
    %mul3A_444 = arith.mulf %convert_element_type3A_443, %convert_element_type3A_421 : vector<20x2704xbf16>
    %dot_general3A_445 = arith.constant dense<0.000000e+00> : vector<1x2704xf32>
    %dot_general3A_446 = tpu.matmul %broadcast_in_dim3A_383, %mul3A_444, %dot_general3A_445 {dimension_numbers = #tpu.dot_dimension_numbers<[1], [0], [0], [1], [0, 0, 1, 1], [], []>, transpose_lhs_hint = false} : vector<1x20xbf16>, vector<20x2704xbf16>, vector<1x2704xf32> -> vector<1x2704xf32>
    %gt3A_447 = arith.constant 0.000000e+00 : f32
    %gt3A_448 = vector.broadcast %gt3A_447 : f32 to vector<1x2704xf32>
    %gt3A_449 = arith.cmpf ogt, %convert_element_type3A_413, %gt3A_448 : vector<1x2704xf32>
    %jit3A_450 = arith.constant 2.000000e+01 : f32
    %broadcast_in_dim3A_451 = vector.broadcast %jit3A_450 : f32 to vector<1x2704xf32>
    %select_n3A_452 = arith.select %gt3A_449, %dot_general3A_437, %broadcast_in_dim3A_451 : vector<1x2704xi1>, vector<1x2704xf32>
    %gt3A_453 = arith.constant 0.000000e+00 : f32
    %gt3A_454 = vector.broadcast %gt3A_453 : f32 to vector<1x2704xf32>
    %gt3A_455 = arith.cmpf ogt, %convert_element_type3A_413, %gt3A_454 : vector<1x2704xf32>
    %jit3A_456 = arith.constant 2.000000e+01 : f32
    %broadcast_in_dim3A_457 = vector.broadcast %jit3A_456 : f32 to vector<1x2704xf32>
    %select_n3A_458 = arith.select %gt3A_455, %dot_general3A_440, %broadcast_in_dim3A_457 : vector<1x2704xi1>, vector<1x2704xf32>
    %gt3A_459 = arith.constant 0.000000e+00 : f32
    %gt3A_460 = vector.broadcast %gt3A_459 : f32 to vector<1x2704xf32>
    %gt3A_461 = arith.cmpf ogt, %convert_element_type3A_413, %gt3A_460 : vector<1x2704xf32>
    %jit3A_462 = arith.constant 1.000000e+00 : f32
    %broadcast_in_dim3A_463 = vector.broadcast %jit3A_462 : f32 to vector<1x2704xf32>
    %select_n3A_464 = arith.select %gt3A_461, %dot_general3A_446, %broadcast_in_dim3A_463 : vector<1x2704xi1>, vector<1x2704xf32>
    %reciprocal3A_465 = tpu.reciprocal %select_n3A_452 {approx = true} : vector<1x2704xf32> -> vector<1x2704xf32>
    %mul3A_466 = arith.mulf %select_n3A_458, %reciprocal3A_465 : vector<1x2704xf32>
    %mul3A_467 = arith.constant 2.000000e+00 : f32
    %mul3A_468 = vector.broadcast %mul3A_467 : f32 to vector<1x2704xf32>
    %mul3A_469 = arith.mulf %mul3A_468, %select_n3A_464 : vector<1x2704xf32>
    %sub3A_470 = arith.subf %mul3A_466, %mul3A_469 : vector<1x2704xf32>
    %mul3A_471 = arith.mulf %sub3A_470, %reciprocal3A_465 : vector<1x2704xf32>
    %add3A_472 = arith.constant 1.000000e+00 : f32
    %add3A_473 = vector.broadcast %add3A_472 : f32 to vector<1x2704xf32>
    %add3A_474 = arith.addf %mul3A_471, %add3A_473 : vector<1x2704xf32>
    %add3A_475 = arith.addf %broadcast_in_dim3A_391, %add3A_474 : vector<1x2704xf32>
    %sub3A_476 = arith.constant 2.704000e+03 : f32
    %sub3A_477 = vector.broadcast %sub3A_476 : f32 to vector<20x1xf32>
    %sub3A_478 = arith.subf %select_n3A_363, %sub3A_477 : vector<20x1xf32>
    %eq3A_479 = vector.broadcast %sub3A_478 : vector<20x1xf32> to vector<20x2704xf32>
    %eq3A_480 = arith.cmpf oeq, %eq3A_479, %convert_element_type3A_36 : vector<20x2704xf32>
    %get3A_481 = arith.constant 1 : index
    %get3A_482 = arith.constant 0 : index
    %get3A_483 = arith.constant 0 : index
    %get3A_484 = vector.load %arg10[%get3A_481, %get3A_482, %get3A_483] : memref<5x20x2704xf32, #tpu.memory_space<vmem>>, vector<1x20x2704xf32>
    %get3A_485 = vector.shape_cast %get3A_484 : vector<1x20x2704xf32> to vector<20x2704xf32>
    %select_n3A_486 = arith.select %eq3A_480, %add3A_389, %get3A_485 : vector<20x2704xi1>, vector<20x2704xf32>
    %reduce_max3A_487 = arith.constant dense<0xFF800000> : vector<2704xf32>
    %reduce_max3A_488 = vector.multi_reduction <maximumf>, %select_n3A_486, %reduce_max3A_487 [0] : vector<20x2704xf32> to vector<2704xf32>
    %broadcast_in_dim3A_489 = vector.shape_cast %reduce_max3A_488 : vector<2704xf32> to vector<1x2704xf32>
    %swap3A_490 = arith.constant 1 : index
    %swap3A_491 = arith.constant 0 : index
    %swap3A_492 = vector.load %arg9[%swap3A_490, %swap3A_491] : memref<8x2704xf32, #tpu.memory_space<vmem>>, vector<1x2704xf32>
    tpu.vector_store %arg9[%swap3A_490, %swap3A_491], %broadcast_in_dim3A_489 {strides = array<i32>} : memref<8x2704xf32, #tpu.memory_space<vmem>>, vector<1x2704xf32>,
    %gt3A_493 = arith.constant 6.000000e-01 : f32
    %gt3A_494 = vector.broadcast %gt3A_493 : f32 to vector<1x2704xf32>
    %gt3A_495 = arith.cmpf ogt, %broadcast_in_dim3A_489, %gt3A_494 : vector<1x2704xf32>
    %convert_element_type3A_496 = arith.extui %gt3A_495 : vector<1x2704xi1> to vector<1x2704xi32>
    %convert_element_type3A_497 = arith.sitofp %convert_element_type3A_496 : vector<1x2704xi32> to vector<1x2704xf32>
    %eq3A_498 = vector.broadcast %broadcast_in_dim3A_489 : vector<1x2704xf32> to vector<20x2704xf32>
    %eq3A_499 = arith.cmpf oeq, %select_n3A_486, %eq3A_498 : vector<20x2704xf32>
    %jit3A_500 = arith.constant 1.000000e+00 : f32
    %jit3A_501 = arith.constant 0.000000e+00 : f32
    %broadcast_in_dim3A_502 = vector.broadcast %jit3A_500 : f32 to vector<20x2704xf32>
    %broadcast_in_dim3A_503 = vector.broadcast %jit3A_501 : f32 to vector<20x2704xf32>
    %select_n3A_504 = arith.select %eq3A_499, %broadcast_in_dim3A_502, %broadcast_in_dim3A_503 : vector<20x2704xi1>, vector<20x2704xf32>
    %convert_element_type3A_505 = arith.truncf %select_n3A_504 : vector<20x2704xf32> to vector<20x2704xbf16>
    %dot_general3A_506 = arith.constant dense<0.000000e+00> : vector<4x2704xf32>
    %dot_general3A_507 = tpu.matmul %convert_element_type3A_370, %convert_element_type3A_505, %dot_general3A_506 {dimension_numbers = #tpu.dot_dimension_numbers<[1], [0], [0], [1], [0, 0, 1, 1], [], []>, transpose_lhs_hint = false} : vector<4x20xbf16>, vector<20x2704xbf16>, vector<4x2704xf32> -> vector<4x2704xf32>
    %swap3A_508 = arith.constant 1 : index
    %swap3A_509 = arith.constant 0 : index
    %swap3A_510 = arith.constant 0 : index
    %swap3A_511 = vector.load %arg11[%swap3A_508, %swap3A_509, %swap3A_510] : memref<5x8x2704xf32, #tpu.memory_space<vmem>>, vector<1x4x2704xf32>
    %swap3A_512 = vector.shape_cast %swap3A_511 : vector<1x4x2704xf32> to vector<4x2704xf32>
    %swap3A_513 = vector.shape_cast %dot_general3A_507 : vector<4x2704xf32> to vector<1x4x2704xf32>
    tpu.vector_store %arg11[%swap3A_508, %swap3A_509, %swap3A_510], %swap3A_513 {strides = array<i32>} : memref<5x8x2704xf32, #tpu.memory_space<vmem>>, vector<1x4x2704xf32>,
    %get3A_514 = arith.constant 0 : index
    %get3A_515 = arith.constant 1 : index
    %get3A_516 = arith.constant 5 : index
    %get3A_517 = arith.constant 0 : index
    %get3A_518 = vector.load %arg1[%get3A_514, %get3A_515, %get3A_516, %get3A_517] : memref<1x5x25x2704xf32, #tpu.memory_space<vmem>>, vector<1x1x20x2704xf32>
    %get3A_519 = vector.shape_cast %get3A_518 : vector<1x1x20x2704xf32> to vector<20x2704xf32>
    %exp3A_520 = math.exp %get3A_519 : vector<20x2704xf32>
    %convert_element_type3A_521 = arith.truncf %exp3A_520 : vector<20x2704xf32> to vector<20x2704xbf16>
    %dot_general3A_522 = arith.constant dense<0.000000e+00> : vector<1x2704xf32>
    %dot_general3A_523 = tpu.matmul %broadcast_in_dim3A_383, %convert_element_type3A_521, %dot_general3A_522 {dimension_numbers = #tpu.dot_dimension_numbers<[1], [0], [0], [1], [0, 0, 1, 1], [], []>, transpose_lhs_hint = false} : vector<1x20xbf16>, vector<20x2704xbf16>, vector<1x2704xf32> -> vector<1x2704xf32>
    %mul3A_524 = arith.mulf %convert_element_type3A_521, %convert_element_type3A_521 : vector<20x2704xbf16>
    %dot_general3A_525 = arith.constant dense<0.000000e+00> : vector<1x2704xf32>
    %dot_general3A_526 = tpu.matmul %broadcast_in_dim3A_383, %mul3A_524, %dot_general3A_525 {dimension_numbers = #tpu.dot_dimension_numbers<[1], [0], [0], [1], [0, 0, 1, 1], [], []>, transpose_lhs_hint = false} : vector<1x20xbf16>, vector<20x2704xbf16>, vector<1x2704xf32> -> vector<1x2704xf32>
    %dot_general3A_527 = arith.constant dense<0.000000e+00> : vector<20x2704xf32>
    %dot_general3A_528 = tpu.matmul %convert_element_type3A_381, %convert_element_type3A_521, %dot_general3A_527 {dimension_numbers = #tpu.dot_dimension_numbers<[1], [0], [0], [1], [0, 0, 1, 1], [], []>, transpose_lhs_hint = false} : vector<20x20xbf16>, vector<20x2704xbf16>, vector<20x2704xf32> -> vector<20x2704xf32>
    %convert_element_type3A_529 = arith.truncf %dot_general3A_528 : vector<20x2704xf32> to vector<20x2704xbf16>
    %mul3A_530 = arith.mulf %convert_element_type3A_529, %convert_element_type3A_505 : vector<20x2704xbf16>
    %dot_general3A_531 = arith.constant dense<0.000000e+00> : vector<1x2704xf32>
    %dot_general3A_532 = tpu.matmul %broadcast_in_dim3A_383, %mul3A_530, %dot_general3A_531 {dimension_numbers = #tpu.dot_dimension_numbers<[1], [0], [0], [1], [0, 0, 1, 1], [], []>, transpose_lhs_hint = false} : vector<1x20xbf16>, vector<20x2704xbf16>, vector<1x2704xf32> -> vector<1x2704xf32>
    %gt3A_533 = arith.constant 0.000000e+00 : f32
    %gt3A_534 = vector.broadcast %gt3A_533 : f32 to vector<1x2704xf32>
    %gt3A_535 = arith.cmpf ogt, %convert_element_type3A_497, %gt3A_534 : vector<1x2704xf32>
    %jit3A_536 = arith.constant 2.000000e+01 : f32
    %broadcast_in_dim3A_537 = vector.broadcast %jit3A_536 : f32 to vector<1x2704xf32>
    %select_n3A_538 = arith.select %gt3A_535, %dot_general3A_523, %broadcast_in_dim3A_537 : vector<1x2704xi1>, vector<1x2704xf32>
    %gt3A_539 = arith.constant 0.000000e+00 : f32
    %gt3A_540 = vector.broadcast %gt3A_539 : f32 to vector<1x2704xf32>
    %gt3A_541 = arith.cmpf ogt, %convert_element_type3A_497, %gt3A_540 : vector<1x2704xf32>
    %jit3A_542 = arith.constant 2.000000e+01 : f32
    %broadcast_in_dim3A_543 = vector.broadcast %jit3A_542 : f32 to vector<1x2704xf32>
    %select_n3A_544 = arith.select %gt3A_541, %dot_general3A_526, %broadcast_in_dim3A_543 : vector<1x2704xi1>, vector<1x2704xf32>
    %gt3A_545 = arith.constant 0.000000e+00 : f32
    %gt3A_546 = vector.broadcast %gt3A_545 : f32 to vector<1x2704xf32>
    %gt3A_547 = arith.cmpf ogt, %convert_element_type3A_497, %gt3A_546 : vector<1x2704xf32>
    %jit3A_548 = arith.constant 1.000000e+00 : f32
    %broadcast_in_dim3A_549 = vector.broadcast %jit3A_548 : f32 to vector<1x2704xf32>
    %select_n3A_550 = arith.select %gt3A_547, %dot_general3A_532, %broadcast_in_dim3A_549 : vector<1x2704xi1>, vector<1x2704xf32>
    %reciprocal3A_551 = tpu.reciprocal %select_n3A_538 {approx = true} : vector<1x2704xf32> -> vector<1x2704xf32>
    %mul3A_552 = arith.mulf %select_n3A_544, %reciprocal3A_551 : vector<1x2704xf32>
    %mul3A_553 = arith.constant 2.000000e+00 : f32
    %mul3A_554 = vector.broadcast %mul3A_553 : f32 to vector<1x2704xf32>
    %mul3A_555 = arith.mulf %mul3A_554, %select_n3A_550 : vector<1x2704xf32>
    %sub3A_556 = arith.subf %mul3A_552, %mul3A_555 : vector<1x2704xf32>
    %mul3A_557 = arith.mulf %sub3A_556, %reciprocal3A_551 : vector<1x2704xf32>
    %add3A_558 = arith.constant 1.000000e+00 : f32
    %add3A_559 = vector.broadcast %add3A_558 : f32 to vector<1x2704xf32>
    %add3A_560 = arith.addf %mul3A_557, %add3A_559 : vector<1x2704xf32>
    %add3A_561 = arith.addf %add3A_475, %add3A_560 : vector<1x2704xf32>
    %sub3A_562 = arith.constant 5.408000e+03 : f32
    %sub3A_563 = vector.broadcast %sub3A_562 : f32 to vector<20x1xf32>
    %sub3A_564 = arith.subf %select_n3A_363, %sub3A_563 : vector<20x1xf32>
    %eq3A_565 = vector.broadcast %sub3A_564 : vector<20x1xf32> to vector<20x2704xf32>
    %eq3A_566 = arith.cmpf oeq, %eq3A_565, %convert_element_type3A_36 : vector<20x2704xf32>
    %get3A_567 = arith.constant 2 : index
    %get3A_568 = arith.constant 0 : index
    %get3A_569 = arith.constant 0 : index
    %get3A_570 = vector.load %arg10[%get3A_567, %get3A_568, %get3A_569] : memref<5x20x2704xf32, #tpu.memory_space<vmem>>, vector<1x20x2704xf32>
    %get3A_571 = vector.shape_cast %get3A_570 : vector<1x20x2704xf32> to vector<20x2704xf32>
    %select_n3A_572 = arith.select %eq3A_566, %add3A_389, %get3A_571 : vector<20x2704xi1>, vector<20x2704xf32>
    %reduce_max3A_573 = arith.constant dense<0xFF800000> : vector<2704xf32>
    %reduce_max3A_574 = vector.multi_reduction <maximumf>, %select_n3A_572, %reduce_max3A_573 [0] : vector<20x2704xf32> to vector<2704xf32>
    %broadcast_in_dim3A_575 = vector.shape_cast %reduce_max3A_574 : vector<2704xf32> to vector<1x2704xf32>
    %swap3A_576 = arith.constant 2 : index
    %swap3A_577 = arith.constant 0 : index
    %swap3A_578 = vector.load %arg9[%swap3A_576, %swap3A_577] : memref<8x2704xf32, #tpu.memory_space<vmem>>, vector<1x2704xf32>
    tpu.vector_store %arg9[%swap3A_576, %swap3A_577], %broadcast_in_dim3A_575 {strides = array<i32>} : memref<8x2704xf32, #tpu.memory_space<vmem>>, vector<1x2704xf32>,
    %gt3A_579 = arith.constant 6.000000e-01 : f32
    %gt3A_580 = vector.broadcast %gt3A_579 : f32 to vector<1x2704xf32>
    %gt3A_581 = arith.cmpf ogt, %broadcast_in_dim3A_575, %gt3A_580 : vector<1x2704xf32>
    %convert_element_type3A_582 = arith.extui %gt3A_581 : vector<1x2704xi1> to vector<1x2704xi32>
    %convert_element_type3A_583 = arith.sitofp %convert_element_type3A_582 : vector<1x2704xi32> to vector<1x2704xf32>
    %eq3A_584 = vector.broadcast %broadcast_in_dim3A_575 : vector<1x2704xf32> to vector<20x2704xf32>
    %eq3A_585 = arith.cmpf oeq, %select_n3A_572, %eq3A_584 : vector<20x2704xf32>
    %jit3A_586 = arith.constant 1.000000e+00 : f32
    %jit3A_587 = arith.constant 0.000000e+00 : f32
    %broadcast_in_dim3A_588 = vector.broadcast %jit3A_586 : f32 to vector<20x2704xf32>
    %broadcast_in_dim3A_589 = vector.broadcast %jit3A_587 : f32 to vector<20x2704xf32>
    %select_n3A_590 = arith.select %eq3A_585, %broadcast_in_dim3A_588, %broadcast_in_dim3A_589 : vector<20x2704xi1>, vector<20x2704xf32>
    %convert_element_type3A_591 = arith.truncf %select_n3A_590 : vector<20x2704xf32> to vector<20x2704xbf16>
    %dot_general3A_592 = arith.constant dense<0.000000e+00> : vector<4x2704xf32>
    %dot_general3A_593 = tpu.matmul %convert_element_type3A_370, %convert_element_type3A_591, %dot_general3A_592 {dimension_numbers = #tpu.dot_dimension_numbers<[1], [0], [0], [1], [0, 0, 1, 1], [], []>, transpose_lhs_hint = false} : vector<4x20xbf16>, vector<20x2704xbf16>, vector<4x2704xf32> -> vector<4x2704xf32>
    %swap3A_594 = arith.constant 2 : index
    %swap3A_595 = arith.constant 0 : index
    %swap3A_596 = arith.constant 0 : index
    %swap3A_597 = vector.load %arg11[%swap3A_594, %swap3A_595, %swap3A_596] : memref<5x8x2704xf32, #tpu.memory_space<vmem>>, vector<1x4x2704xf32>
    %swap3A_598 = vector.shape_cast %swap3A_597 : vector<1x4x2704xf32> to vector<4x2704xf32>
    %swap3A_599 = vector.shape_cast %dot_general3A_593 : vector<4x2704xf32> to vector<1x4x2704xf32>
    tpu.vector_store %arg11[%swap3A_594, %swap3A_595, %swap3A_596], %swap3A_599 {strides = array<i32>} : memref<5x8x2704xf32, #tpu.memory_space<vmem>>, vector<1x4x2704xf32>,
    %get3A_600 = arith.constant 0 : index
    %get3A_601 = arith.constant 2 : index
    %get3A_602 = arith.constant 5 : index
    %get3A_603 = arith.constant 0 : index
    %get3A_604 = vector.load %arg1[%get3A_600, %get3A_601, %get3A_602, %get3A_603] : memref<1x5x25x2704xf32, #tpu.memory_space<vmem>>, vector<1x1x20x2704xf32>
    %get3A_605 = vector.shape_cast %get3A_604 : vector<1x1x20x2704xf32> to vector<20x2704xf32>
    %exp3A_606 = math.exp %get3A_605 : vector<20x2704xf32>
    %convert_element_type3A_607 = arith.truncf %exp3A_606 : vector<20x2704xf32> to vector<20x2704xbf16>
    %dot_general3A_608 = arith.constant dense<0.000000e+00> : vector<1x2704xf32>
    %dot_general3A_609 = tpu.matmul %broadcast_in_dim3A_383, %convert_element_type3A_607, %dot_general3A_608 {dimension_numbers = #tpu.dot_dimension_numbers<[1], [0], [0], [1], [0, 0, 1, 1], [], []>, transpose_lhs_hint = false} : vector<1x20xbf16>, vector<20x2704xbf16>, vector<1x2704xf32> -> vector<1x2704xf32>
    %mul3A_610 = arith.mulf %convert_element_type3A_607, %convert_element_type3A_607 : vector<20x2704xbf16>
    %dot_general3A_611 = arith.constant dense<0.000000e+00> : vector<1x2704xf32>
    %dot_general3A_612 = tpu.matmul %broadcast_in_dim3A_383, %mul3A_610, %dot_general3A_611 {dimension_numbers = #tpu.dot_dimension_numbers<[1], [0], [0], [1], [0, 0, 1, 1], [], []>, transpose_lhs_hint = false} : vector<1x20xbf16>, vector<20x2704xbf16>, vector<1x2704xf32> -> vector<1x2704xf32>
    %dot_general3A_613 = arith.constant dense<0.000000e+00> : vector<20x2704xf32>
    %dot_general3A_614 = tpu.matmul %convert_element_type3A_381, %convert_element_type3A_607, %dot_general3A_613 {dimension_numbers = #tpu.dot_dimension_numbers<[1], [0], [0], [1], [0, 0, 1, 1], [], []>, transpose_lhs_hint = false} : vector<20x20xbf16>, vector<20x2704xbf16>, vector<20x2704xf32> -> vector<20x2704xf32>
    %convert_element_type3A_615 = arith.truncf %dot_general3A_614 : vector<20x2704xf32> to vector<20x2704xbf16>
    %mul3A_616 = arith.mulf %convert_element_type3A_615, %convert_element_type3A_591 : vector<20x2704xbf16>
    %dot_general3A_617 = arith.constant dense<0.000000e+00> : vector<1x2704xf32>
    %dot_general3A_618 = tpu.matmul %broadcast_in_dim3A_383, %mul3A_616, %dot_general3A_617 {dimension_numbers = #tpu.dot_dimension_numbers<[1], [0], [0], [1], [0, 0, 1, 1], [], []>, transpose_lhs_hint = false} : vector<1x20xbf16>, vector<20x2704xbf16>, vector<1x2704xf32> -> vector<1x2704xf32>
    %gt3A_619 = arith.constant 0.000000e+00 : f32
    %gt3A_620 = vector.broadcast %gt3A_619 : f32 to vector<1x2704xf32>
    %gt3A_621 = arith.cmpf ogt, %convert_element_type3A_583, %gt3A_620 : vector<1x2704xf32>
    %jit3A_622 = arith.constant 2.000000e+01 : f32
    %broadcast_in_dim3A_623 = vector.broadcast %jit3A_622 : f32 to vector<1x2704xf32>
    %select_n3A_624 = arith.select %gt3A_621, %dot_general3A_609, %broadcast_in_dim3A_623 : vector<1x2704xi1>, vector<1x2704xf32>
    %gt3A_625 = arith.constant 0.000000e+00 : f32
    %gt3A_626 = vector.broadcast %gt3A_625 : f32 to vector<1x2704xf32>
    %gt3A_627 = arith.cmpf ogt, %convert_element_type3A_583, %gt3A_626 : vector<1x2704xf32>
    %jit3A_628 = arith.constant 2.000000e+01 : f32
    %broadcast_in_dim3A_629 = vector.broadcast %jit3A_628 : f32 to vector<1x2704xf32>
    %select_n3A_630 = arith.select %gt3A_627, %dot_general3A_612, %broadcast_in_dim3A_629 : vector<1x2704xi1>, vector<1x2704xf32>
    %gt3A_631 = arith.constant 0.000000e+00 : f32
    %gt3A_632 = vector.broadcast %gt3A_631 : f32 to vector<1x2704xf32>
    %gt3A_633 = arith.cmpf ogt, %convert_element_type3A_583, %gt3A_632 : vector<1x2704xf32>
    %jit3A_634 = arith.constant 1.000000e+00 : f32
    %broadcast_in_dim3A_635 = vector.broadcast %jit3A_634 : f32 to vector<1x2704xf32>
    %select_n3A_636 = arith.select %gt3A_633, %dot_general3A_618, %broadcast_in_dim3A_635 : vector<1x2704xi1>, vector<1x2704xf32>
    %reciprocal3A_637 = tpu.reciprocal %select_n3A_624 {approx = true} : vector<1x2704xf32> -> vector<1x2704xf32>
    %mul3A_638 = arith.mulf %select_n3A_630, %reciprocal3A_637 : vector<1x2704xf32>
    %mul3A_639 = arith.constant 2.000000e+00 : f32
    %mul3A_640 = vector.broadcast %mul3A_639 : f32 to vector<1x2704xf32>
    %mul3A_641 = arith.mulf %mul3A_640, %select_n3A_636 : vector<1x2704xf32>
    %sub3A_642 = arith.subf %mul3A_638, %mul3A_641 : vector<1x2704xf32>
    %mul3A_643 = arith.mulf %sub3A_642, %reciprocal3A_637 : vector<1x2704xf32>
    %add3A_644 = arith.constant 1.000000e+00 : f32
    %add3A_645 = vector.broadcast %add3A_644 : f32 to vector<1x2704xf32>
    %add3A_646 = arith.addf %mul3A_643, %add3A_645 : vector<1x2704xf32>
    %add3A_647 = arith.addf %add3A_561, %add3A_646 : vector<1x2704xf32>
    %sub3A_648 = arith.constant 8.112000e+03 : f32
    %sub3A_649 = vector.broadcast %sub3A_648 : f32 to vector<20x1xf32>
    %sub3A_650 = arith.subf %select_n3A_363, %sub3A_649 : vector<20x1xf32>
    %eq3A_651 = vector.broadcast %sub3A_650 : vector<20x1xf32> to vector<20x2704xf32>
    %eq3A_652 = arith.cmpf oeq, %eq3A_651, %convert_element_type3A_36 : vector<20x2704xf32>
    %get3A_653 = arith.constant 3 : index
    %get3A_654 = arith.constant 0 : index
    %get3A_655 = arith.constant 0 : index
    %get3A_656 = vector.load %arg10[%get3A_653, %get3A_654, %get3A_655] : memref<5x20x2704xf32, #tpu.memory_space<vmem>>, vector<1x20x2704xf32>
    %get3A_657 = vector.shape_cast %get3A_656 : vector<1x20x2704xf32> to vector<20x2704xf32>
    %select_n3A_658 = arith.select %eq3A_652, %add3A_389, %get3A_657 : vector<20x2704xi1>, vector<20x2704xf32>
    %reduce_max3A_659 = arith.constant dense<0xFF800000> : vector<2704xf32>
    %reduce_max3A_660 = vector.multi_reduction <maximumf>, %select_n3A_658, %reduce_max3A_659 [0] : vector<20x2704xf32> to vector<2704xf32>
    %broadcast_in_dim3A_661 = vector.shape_cast %reduce_max3A_660 : vector<2704xf32> to vector<1x2704xf32>
    %swap3A_662 = arith.constant 3 : index
    %swap3A_663 = arith.constant 0 : index
    %swap3A_664 = vector.load %arg9[%swap3A_662, %swap3A_663] : memref<8x2704xf32, #tpu.memory_space<vmem>>, vector<1x2704xf32>
    tpu.vector_store %arg9[%swap3A_662, %swap3A_663], %broadcast_in_dim3A_661 {strides = array<i32>} : memref<8x2704xf32, #tpu.memory_space<vmem>>, vector<1x2704xf32>,
    %gt3A_665 = arith.constant 6.000000e-01 : f32
    %gt3A_666 = vector.broadcast %gt3A_665 : f32 to vector<1x2704xf32>
    %gt3A_667 = arith.cmpf ogt, %broadcast_in_dim3A_661, %gt3A_666 : vector<1x2704xf32>
    %convert_element_type3A_668 = arith.extui %gt3A_667 : vector<1x2704xi1> to vector<1x2704xi32>
    %convert_element_type3A_669 = arith.sitofp %convert_element_type3A_668 : vector<1x2704xi32> to vector<1x2704xf32>
    %eq3A_670 = vector.broadcast %broadcast_in_dim3A_661 : vector<1x2704xf32> to vector<20x2704xf32>
    %eq3A_671 = arith.cmpf oeq, %select_n3A_658, %eq3A_670 : vector<20x2704xf32>
    %jit3A_672 = arith.constant 1.000000e+00 : f32
    %jit3A_673 = arith.constant 0.000000e+00 : f32
    %broadcast_in_dim3A_674 = vector.broadcast %jit3A_672 : f32 to vector<20x2704xf32>
    %broadcast_in_dim3A_675 = vector.broadcast %jit3A_673 : f32 to vector<20x2704xf32>
    %select_n3A_676 = arith.select %eq3A_671, %broadcast_in_dim3A_674, %broadcast_in_dim3A_675 : vector<20x2704xi1>, vector<20x2704xf32>
    %convert_element_type3A_677 = arith.truncf %select_n3A_676 : vector<20x2704xf32> to vector<20x2704xbf16>
    %dot_general3A_678 = arith.constant dense<0.000000e+00> : vector<4x2704xf32>
    %dot_general3A_679 = tpu.matmul %convert_element_type3A_370, %convert_element_type3A_677, %dot_general3A_678 {dimension_numbers = #tpu.dot_dimension_numbers<[1], [0], [0], [1], [0, 0, 1, 1], [], []>, transpose_lhs_hint = false} : vector<4x20xbf16>, vector<20x2704xbf16>, vector<4x2704xf32> -> vector<4x2704xf32>
    %swap3A_680 = arith.constant 3 : index
    %swap3A_681 = arith.constant 0 : index
    %swap3A_682 = arith.constant 0 : index
    %swap3A_683 = vector.load %arg11[%swap3A_680, %swap3A_681, %swap3A_682] : memref<5x8x2704xf32, #tpu.memory_space<vmem>>, vector<1x4x2704xf32>
    %swap3A_684 = vector.shape_cast %swap3A_683 : vector<1x4x2704xf32> to vector<4x2704xf32>
    %swap3A_685 = vector.shape_cast %dot_general3A_679 : vector<4x2704xf32> to vector<1x4x2704xf32>
    tpu.vector_store %arg11[%swap3A_680, %swap3A_681, %swap3A_682], %swap3A_685 {strides = array<i32>} : memref<5x8x2704xf32, #tpu.memory_space<vmem>>, vector<1x4x2704xf32>,
    %get3A_686 = arith.constant 0 : index
    %get3A_687 = arith.constant 3 : index
    %get3A_688 = arith.constant 5 : index
    %get3A_689 = arith.constant 0 : index
    %get3A_690 = vector.load %arg1[%get3A_686, %get3A_687, %get3A_688, %get3A_689] : memref<1x5x25x2704xf32, #tpu.memory_space<vmem>>, vector<1x1x20x2704xf32>
    %get3A_691 = vector.shape_cast %get3A_690 : vector<1x1x20x2704xf32> to vector<20x2704xf32>
    %exp3A_692 = math.exp %get3A_691 : vector<20x2704xf32>
    %convert_element_type3A_693 = arith.truncf %exp3A_692 : vector<20x2704xf32> to vector<20x2704xbf16>
    %dot_general3A_694 = arith.constant dense<0.000000e+00> : vector<1x2704xf32>
    %dot_general3A_695 = tpu.matmul %broadcast_in_dim3A_383, %convert_element_type3A_693, %dot_general3A_694 {dimension_numbers = #tpu.dot_dimension_numbers<[1], [0], [0], [1], [0, 0, 1, 1], [], []>, transpose_lhs_hint = false} : vector<1x20xbf16>, vector<20x2704xbf16>, vector<1x2704xf32> -> vector<1x2704xf32>
    %mul3A_696 = arith.mulf %convert_element_type3A_693, %convert_element_type3A_693 : vector<20x2704xbf16>
    %dot_general3A_697 = arith.constant dense<0.000000e+00> : vector<1x2704xf32>
    %dot_general3A_698 = tpu.matmul %broadcast_in_dim3A_383, %mul3A_696, %dot_general3A_697 {dimension_numbers = #tpu.dot_dimension_numbers<[1], [0], [0], [1], [0, 0, 1, 1], [], []>, transpose_lhs_hint = false} : vector<1x20xbf16>, vector<20x2704xbf16>, vector<1x2704xf32> -> vector<1x2704xf32>
    %dot_general3A_699 = arith.constant dense<0.000000e+00> : vector<20x2704xf32>
    %dot_general3A_700 = tpu.matmul %convert_element_type3A_381, %convert_element_type3A_693, %dot_general3A_699 {dimension_numbers = #tpu.dot_dimension_numbers<[1], [0], [0], [1], [0, 0, 1, 1], [], []>, transpose_lhs_hint = false} : vector<20x20xbf16>, vector<20x2704xbf16>, vector<20x2704xf32> -> vector<20x2704xf32>
    %convert_element_type3A_701 = arith.truncf %dot_general3A_700 : vector<20x2704xf32> to vector<20x2704xbf16>
    %mul3A_702 = arith.mulf %convert_element_type3A_701, %convert_element_type3A_677 : vector<20x2704xbf16>
    %dot_general3A_703 = arith.constant dense<0.000000e+00> : vector<1x2704xf32>
    %dot_general3A_704 = tpu.matmul %broadcast_in_dim3A_383, %mul3A_702, %dot_general3A_703 {dimension_numbers = #tpu.dot_dimension_numbers<[1], [0], [0], [1], [0, 0, 1, 1], [], []>, transpose_lhs_hint = false} : vector<1x20xbf16>, vector<20x2704xbf16>, vector<1x2704xf32> -> vector<1x2704xf32>
    %gt3A_705 = arith.constant 0.000000e+00 : f32
    %gt3A_706 = vector.broadcast %gt3A_705 : f32 to vector<1x2704xf32>
    %gt3A_707 = arith.cmpf ogt, %convert_element_type3A_669, %gt3A_706 : vector<1x2704xf32>
    %jit3A_708 = arith.constant 2.000000e+01 : f32
    %broadcast_in_dim3A_709 = vector.broadcast %jit3A_708 : f32 to vector<1x2704xf32>
    %select_n3A_710 = arith.select %gt3A_707, %dot_general3A_695, %broadcast_in_dim3A_709 : vector<1x2704xi1>, vector<1x2704xf32>
    %gt3A_711 = arith.constant 0.000000e+00 : f32
    %gt3A_712 = vector.broadcast %gt3A_711 : f32 to vector<1x2704xf32>
    %gt3A_713 = arith.cmpf ogt, %convert_element_type3A_669, %gt3A_712 : vector<1x2704xf32>
    %jit3A_714 = arith.constant 2.000000e+01 : f32
    %broadcast_in_dim3A_715 = vector.broadcast %jit3A_714 : f32 to vector<1x2704xf32>
    %select_n3A_716 = arith.select %gt3A_713, %dot_general3A_698, %broadcast_in_dim3A_715 : vector<1x2704xi1>, vector<1x2704xf32>
    %gt3A_717 = arith.constant 0.000000e+00 : f32
    %gt3A_718 = vector.broadcast %gt3A_717 : f32 to vector<1x2704xf32>
    %gt3A_719 = arith.cmpf ogt, %convert_element_type3A_669, %gt3A_718 : vector<1x2704xf32>
    %jit3A_720 = arith.constant 1.000000e+00 : f32
    %broadcast_in_dim3A_721 = vector.broadcast %jit3A_720 : f32 to vector<1x2704xf32>
    %select_n3A_722 = arith.select %gt3A_719, %dot_general3A_704, %broadcast_in_dim3A_721 : vector<1x2704xi1>, vector<1x2704xf32>
    %reciprocal3A_723 = tpu.reciprocal %select_n3A_710 {approx = true} : vector<1x2704xf32> -> vector<1x2704xf32>
    %mul3A_724 = arith.mulf %select_n3A_716, %reciprocal3A_723 : vector<1x2704xf32>
    %mul3A_725 = arith.constant 2.000000e+00 : f32
    %mul3A_726 = vector.broadcast %mul3A_725 : f32 to vector<1x2704xf32>
    %mul3A_727 = arith.mulf %mul3A_726, %select_n3A_722 : vector<1x2704xf32>
    %sub3A_728 = arith.subf %mul3A_724, %mul3A_727 : vector<1x2704xf32>
    %mul3A_729 = arith.mulf %sub3A_728, %reciprocal3A_723 : vector<1x2704xf32>
    %add3A_730 = arith.constant 1.000000e+00 : f32
    %add3A_731 = vector.broadcast %add3A_730 : f32 to vector<1x2704xf32>
    %add3A_732 = arith.addf %mul3A_729, %add3A_731 : vector<1x2704xf32>
    %add3A_733 = arith.addf %add3A_647, %add3A_732 : vector<1x2704xf32>
    %sub3A_734 = arith.constant 1.081600e+04 : f32
    %sub3A_735 = vector.broadcast %sub3A_734 : f32 to vector<20x1xf32>
    %sub3A_736 = arith.subf %select_n3A_363, %sub3A_735 : vector<20x1xf32>
    %eq3A_737 = vector.broadcast %sub3A_736 : vector<20x1xf32> to vector<20x2704xf32>
    %eq3A_738 = arith.cmpf oeq, %eq3A_737, %convert_element_type3A_36 : vector<20x2704xf32>
    %get3A_739 = arith.constant 4 : index
    %get3A_740 = arith.constant 0 : index
    %get3A_741 = arith.constant 0 : index
    %get3A_742 = vector.load %arg10[%get3A_739, %get3A_740, %get3A_741] : memref<5x20x2704xf32, #tpu.memory_space<vmem>>, vector<1x20x2704xf32>
    %get3A_743 = vector.shape_cast %get3A_742 : vector<1x20x2704xf32> to vector<20x2704xf32>
    %select_n3A_744 = arith.select %eq3A_738, %add3A_389, %get3A_743 : vector<20x2704xi1>, vector<20x2704xf32>
    %reduce_max3A_745 = arith.constant dense<0xFF800000> : vector<2704xf32>
    %reduce_max3A_746 = vector.multi_reduction <maximumf>, %select_n3A_744, %reduce_max3A_745 [0] : vector<20x2704xf32> to vector<2704xf32>
    %broadcast_in_dim3A_747 = vector.shape_cast %reduce_max3A_746 : vector<2704xf32> to vector<1x2704xf32>
    %swap3A_748 = arith.constant 4 : index
    %swap3A_749 = arith.constant 0 : index
    %swap3A_750 = vector.load %arg9[%swap3A_748, %swap3A_749] : memref<8x2704xf32, #tpu.memory_space<vmem>>, vector<1x2704xf32>
    tpu.vector_store %arg9[%swap3A_748, %swap3A_749], %broadcast_in_dim3A_747 {strides = array<i32>} : memref<8x2704xf32, #tpu.memory_space<vmem>>, vector<1x2704xf32>,
    %gt3A_751 = arith.constant 6.000000e-01 : f32
    %gt3A_752 = vector.broadcast %gt3A_751 : f32 to vector<1x2704xf32>
    %gt3A_753 = arith.cmpf ogt, %broadcast_in_dim3A_747, %gt3A_752 : vector<1x2704xf32>
    %convert_element_type3A_754 = arith.extui %gt3A_753 : vector<1x2704xi1> to vector<1x2704xi32>
    %convert_element_type3A_755 = arith.sitofp %convert_element_type3A_754 : vector<1x2704xi32> to vector<1x2704xf32>
    %eq3A_756 = vector.broadcast %broadcast_in_dim3A_747 : vector<1x2704xf32> to vector<20x2704xf32>
    %eq3A_757 = arith.cmpf oeq, %select_n3A_744, %eq3A_756 : vector<20x2704xf32>
    %jit3A_758 = arith.constant 1.000000e+00 : f32
    %jit3A_759 = arith.constant 0.000000e+00 : f32
    %broadcast_in_dim3A_760 = vector.broadcast %jit3A_758 : f32 to vector<20x2704xf32>
    %broadcast_in_dim3A_761 = vector.broadcast %jit3A_759 : f32 to vector<20x2704xf32>
    %select_n3A_762 = arith.select %eq3A_757, %broadcast_in_dim3A_760, %broadcast_in_dim3A_761 : vector<20x2704xi1>, vector<20x2704xf32>
    %convert_element_type3A_763 = arith.truncf %select_n3A_762 : vector<20x2704xf32> to vector<20x2704xbf16>
    %dot_general3A_764 = arith.constant dense<0.000000e+00> : vector<4x2704xf32>
    %dot_general3A_765 = tpu.matmul %convert_element_type3A_370, %convert_element_type3A_763, %dot_general3A_764 {dimension_numbers = #tpu.dot_dimension_numbers<[1], [0], [0], [1], [0, 0, 1, 1], [], []>, transpose_lhs_hint = false} : vector<4x20xbf16>, vector<20x2704xbf16>, vector<4x2704xf32> -> vector<4x2704xf32>
    %swap3A_766 = arith.constant 4 : index
    %swap3A_767 = arith.constant 0 : index
    %swap3A_768 = arith.constant 0 : index
    %swap3A_769 = vector.load %arg11[%swap3A_766, %swap3A_767, %swap3A_768] : memref<5x8x2704xf32, #tpu.memory_space<vmem>>, vector<1x4x2704xf32>
    %swap3A_770 = vector.shape_cast %swap3A_769 : vector<1x4x2704xf32> to vector<4x2704xf32>
    %swap3A_771 = vector.shape_cast %dot_general3A_765 : vector<4x2704xf32> to vector<1x4x2704xf32>
    tpu.vector_store %arg11[%swap3A_766, %swap3A_767, %swap3A_768], %swap3A_771 {strides = array<i32>} : memref<5x8x2704xf32, #tpu.memory_space<vmem>>, vector<1x4x2704xf32>,
    %get3A_772 = arith.constant 0 : index
    %get3A_773 = arith.constant 4 : index
    %get3A_774 = arith.constant 5 : index
    %get3A_775 = arith.constant 0 : index
    %get3A_776 = vector.load %arg1[%get3A_772, %get3A_773, %get3A_774, %get3A_775] : memref<1x5x25x2704xf32, #tpu.memory_space<vmem>>, vector<1x1x20x2704xf32>
    %get3A_777 = vector.shape_cast %get3A_776 : vector<1x1x20x2704xf32> to vector<20x2704xf32>
    %exp3A_778 = math.exp %get3A_777 : vector<20x2704xf32>
    %convert_element_type3A_779 = arith.truncf %exp3A_778 : vector<20x2704xf32> to vector<20x2704xbf16>
    %dot_general3A_780 = arith.constant dense<0.000000e+00> : vector<1x2704xf32>
    %dot_general3A_781 = tpu.matmul %broadcast_in_dim3A_383, %convert_element_type3A_779, %dot_general3A_780 {dimension_numbers = #tpu.dot_dimension_numbers<[1], [0], [0], [1], [0, 0, 1, 1], [], []>, transpose_lhs_hint = false} : vector<1x20xbf16>, vector<20x2704xbf16>, vector<1x2704xf32> -> vector<1x2704xf32>
    %mul3A_782 = arith.mulf %convert_element_type3A_779, %convert_element_type3A_779 : vector<20x2704xbf16>
    %dot_general3A_783 = arith.constant dense<0.000000e+00> : vector<1x2704xf32>
    %dot_general3A_784 = tpu.matmul %broadcast_in_dim3A_383, %mul3A_782, %dot_general3A_783 {dimension_numbers = #tpu.dot_dimension_numbers<[1], [0], [0], [1], [0, 0, 1, 1], [], []>, transpose_lhs_hint = false} : vector<1x20xbf16>, vector<20x2704xbf16>, vector<1x2704xf32> -> vector<1x2704xf32>
    %dot_general3A_785 = arith.constant dense<0.000000e+00> : vector<20x2704xf32>
    %dot_general3A_786 = tpu.matmul %convert_element_type3A_381, %convert_element_type3A_779, %dot_general3A_785 {dimension_numbers = #tpu.dot_dimension_numbers<[1], [0], [0], [1], [0, 0, 1, 1], [], []>, transpose_lhs_hint = false} : vector<20x20xbf16>, vector<20x2704xbf16>, vector<20x2704xf32> -> vector<20x2704xf32>
    %convert_element_type3A_787 = arith.truncf %dot_general3A_786 : vector<20x2704xf32> to vector<20x2704xbf16>
    %mul3A_788 = arith.mulf %convert_element_type3A_787, %convert_element_type3A_763 : vector<20x2704xbf16>
    %dot_general3A_789 = arith.constant dense<0.000000e+00> : vector<1x2704xf32>
    %dot_general3A_790 = tpu.matmul %broadcast_in_dim3A_383, %mul3A_788, %dot_general3A_789 {dimension_numbers = #tpu.dot_dimension_numbers<[1], [0], [0], [1], [0, 0, 1, 1], [], []>, transpose_lhs_hint = false} : vector<1x20xbf16>, vector<20x2704xbf16>, vector<1x2704xf32> -> vector<1x2704xf32>
    %gt3A_791 = arith.constant 0.000000e+00 : f32
    %gt3A_792 = vector.broadcast %gt3A_791 : f32 to vector<1x2704xf32>
    %gt3A_793 = arith.cmpf ogt, %convert_element_type3A_755, %gt3A_792 : vector<1x2704xf32>
    %jit3A_794 = arith.constant 2.000000e+01 : f32
    %broadcast_in_dim3A_795 = vector.broadcast %jit3A_794 : f32 to vector<1x2704xf32>
    %select_n3A_796 = arith.select %gt3A_793, %dot_general3A_781, %broadcast_in_dim3A_795 : vector<1x2704xi1>, vector<1x2704xf32>
    %gt3A_797 = arith.constant 0.000000e+00 : f32
    %gt3A_798 = vector.broadcast %gt3A_797 : f32 to vector<1x2704xf32>
    %gt3A_799 = arith.cmpf ogt, %convert_element_type3A_755, %gt3A_798 : vector<1x2704xf32>
    %jit3A_800 = arith.constant 2.000000e+01 : f32
    %broadcast_in_dim3A_801 = vector.broadcast %jit3A_800 : f32 to vector<1x2704xf32>
    %select_n3A_802 = arith.select %gt3A_799, %dot_general3A_784, %broadcast_in_dim3A_801 : vector<1x2704xi1>, vector<1x2704xf32>
    %gt3A_803 = arith.constant 0.000000e+00 : f32
    %gt3A_804 = vector.broadcast %gt3A_803 : f32 to vector<1x2704xf32>
    %gt3A_805 = arith.cmpf ogt, %convert_element_type3A_755, %gt3A_804 : vector<1x2704xf32>
    %jit3A_806 = arith.constant 1.000000e+00 : f32
    %broadcast_in_dim3A_807 = vector.broadcast %jit3A_806 : f32 to vector<1x2704xf32>
    %select_n3A_808 = arith.select %gt3A_805, %dot_general3A_790, %broadcast_in_dim3A_807 : vector<1x2704xi1>, vector<1x2704xf32>
    %reciprocal3A_809 = tpu.reciprocal %select_n3A_796 {approx = true} : vector<1x2704xf32> -> vector<1x2704xf32>
    %mul3A_810 = arith.mulf %select_n3A_802, %reciprocal3A_809 : vector<1x2704xf32>
    %mul3A_811 = arith.constant 2.000000e+00 : f32
    %mul3A_812 = vector.broadcast %mul3A_811 : f32 to vector<1x2704xf32>
    %mul3A_813 = arith.mulf %mul3A_812, %select_n3A_808 : vector<1x2704xf32>
    %sub3A_814 = arith.subf %mul3A_810, %mul3A_813 : vector<1x2704xf32>
    %mul3A_815 = arith.mulf %sub3A_814, %reciprocal3A_809 : vector<1x2704xf32>
    %add3A_816 = arith.constant 1.000000e+00 : f32
    %add3A_817 = vector.broadcast %add3A_816 : f32 to vector<1x2704xf32>
    %add3A_818 = arith.addf %mul3A_815, %add3A_817 : vector<1x2704xf32>
    %add3A_819 = arith.addf %add3A_733, %add3A_818 : vector<1x2704xf32>
    %get3A_820 = arith.constant 0 : index
    %get3A_821 = arith.constant 0 : index
    %get3A_822 = arith.constant 0 : index
    %get3A_823 = vector.load %arg4[%get3A_820, %get3A_821, %get3A_822] : memref<1x5x2xf32, #tpu.memory_space<vmem>>, vector<1x5x2xf32>
    %get3A_824 = vector.shape_cast %get3A_823 : vector<1x5x2xf32> to vector<5x2xf32>
    %slice3A_825 = vector.extract_strided_slice %get3A_824 {offsets = [0, 0], sizes = [5, 1], strides = [1, 1]} : vector<5x2xf32> to vector<5x1xf32>
    %get3A_826 = arith.constant 0 : index
    %get3A_827 = arith.constant 0 : index
    %get3A_828 = arith.constant 0 : index
    %get3A_829 = vector.load %arg4[%get3A_826, %get3A_827, %get3A_828] : memref<1x5x2xf32, #tpu.memory_space<vmem>>, vector<1x5x2xf32>
    %get3A_830 = vector.shape_cast %get3A_829 : vector<1x5x2xf32> to vector<5x2xf32>
    %slice3A_831 = vector.extract_strided_slice %get3A_830 {offsets = [0, 1], sizes = [5, 1], strides = [1, 1]} : vector<5x2xf32> to vector<5x1xf32>
    %get3A_832 = arith.constant 0 : index
    %get3A_833 = arith.constant 0 : index
    %get3A_834 = arith.constant 0 : index
    %get3A_835 = arith.constant 0 : index
    %get3A_836 = vector.load %arg1[%get3A_832, %get3A_833, %get3A_834, %get3A_835] : memref<1x5x25x2704xf32, #tpu.memory_space<vmem>>, vector<1x5x1x2704xf32>
    %get3A_837 = vector.shape_cast %get3A_836 : vector<1x5x1x2704xf32> to vector<5x2704xf32>
    %logistic3A = arith.negf %get3A_837 : vector<5x2704xf32>
    %logistic3A_838 = math.exp %logistic3A : vector<5x2704xf32>
    %logistic3A_839 = arith.constant 1.000000e+00 : f32
    %logistic3A_840 = vector.broadcast %logistic3A_839 : f32 to vector<5x2704xf32>
    %logistic3A_841 = arith.addf %logistic3A_840, %logistic3A_838 : vector<5x2704xf32>
    %logistic3A_842 = arith.divf %logistic3A_840, %logistic3A_841 : vector<5x2704xf32>
    %get3A_843 = arith.constant 0 : index
    %get3A_844 = arith.constant 0 : index
    %get3A_845 = arith.constant 1 : index
    %get3A_846 = arith.constant 0 : index
    %get3A_847 = vector.load %arg1[%get3A_843, %get3A_844, %get3A_845, %get3A_846] : memref<1x5x25x2704xf32, #tpu.memory_space<vmem>>, vector<1x5x1x2704xf32>
    %get3A_848 = vector.shape_cast %get3A_847 : vector<1x5x1x2704xf32> to vector<5x2704xf32>
    %logistic3A_849 = arith.negf %get3A_848 : vector<5x2704xf32>
    %logistic3A_850 = math.exp %logistic3A_849 : vector<5x2704xf32>
    %logistic3A_851 = arith.constant 1.000000e+00 : f32
    %logistic3A_852 = vector.broadcast %logistic3A_851 : f32 to vector<5x2704xf32>
    %logistic3A_853 = arith.addf %logistic3A_852, %logistic3A_850 : vector<5x2704xf32>
    %logistic3A_854 = arith.divf %logistic3A_852, %logistic3A_853 : vector<5x2704xf32>
    %get3A_855 = arith.constant 0 : index
    %get3A_856 = arith.constant 0 : index
    %get3A_857 = arith.constant 2 : index
    %get3A_858 = arith.constant 0 : index
    %get3A_859 = vector.load %arg1[%get3A_855, %get3A_856, %get3A_857, %get3A_858] : memref<1x5x25x2704xf32, #tpu.memory_space<vmem>>, vector<1x5x1x2704xf32>
    %get3A_860 = vector.shape_cast %get3A_859 : vector<1x5x1x2704xf32> to vector<5x2704xf32>
    %exp3A_861 = math.exp %get3A_860 : vector<5x2704xf32>
    %mul3A_862 = vector.broadcast %slice3A_825 : vector<5x1xf32> to vector<5x2704xf32>
    %mul3A_863 = arith.mulf %exp3A_861, %mul3A_862 : vector<5x2704xf32>
    %get3A_864 = arith.constant 0 : index
    %get3A_865 = arith.constant 0 : index
    %get3A_866 = arith.constant 3 : index
    %get3A_867 = arith.constant 0 : index
    %get3A_868 = vector.load %arg1[%get3A_864, %get3A_865, %get3A_866, %get3A_867] : memref<1x5x25x2704xf32, #tpu.memory_space<vmem>>, vector<1x5x1x2704xf32>
    %get3A_869 = vector.shape_cast %get3A_868 : vector<1x5x1x2704xf32> to vector<5x2704xf32>
    %exp3A_870 = math.exp %get3A_869 : vector<5x2704xf32>
    %mul3A_871 = vector.broadcast %slice3A_831 : vector<5x1xf32> to vector<5x2704xf32>
    %mul3A_872 = arith.mulf %exp3A_870, %mul3A_871 : vector<5x2704xf32>
    %get3A_873 = arith.constant 0 : index
    %get3A_874 = arith.constant 0 : index
    %get3A_875 = arith.constant 4 : index
    %get3A_876 = arith.constant 0 : index
    %get3A_877 = vector.load %arg1[%get3A_873, %get3A_874, %get3A_875, %get3A_876] : memref<1x5x25x2704xf32, #tpu.memory_space<vmem>>, vector<1x5x1x2704xf32>
    %get3A_878 = vector.shape_cast %get3A_877 : vector<1x5x1x2704xf32> to vector<5x2704xf32>
    %logistic3A_879 = arith.negf %get3A_878 : vector<5x2704xf32>
    %logistic3A_880 = math.exp %logistic3A_879 : vector<5x2704xf32>
    %logistic3A_881 = arith.constant 1.000000e+00 : f32
    %logistic3A_882 = vector.broadcast %logistic3A_881 : f32 to vector<5x2704xf32>
    %logistic3A_883 = arith.addf %logistic3A_882, %logistic3A_880 : vector<5x2704xf32>
    %logistic3A_884 = arith.divf %logistic3A_882, %logistic3A_883 : vector<5x2704xf32>
    %get3A_885 = arith.constant 0 : index
    %get3A_886 = arith.constant 0 : index
    %get3A_887 = arith.constant 0 : index
    %get3A_888 = vector.load %arg11[%get3A_885, %get3A_886, %get3A_887] : memref<5x8x2704xf32, #tpu.memory_space<vmem>>, vector<5x1x2704xf32>
    %get3A_889 = vector.shape_cast %get3A_888 : vector<5x1x2704xf32> to vector<5x2704xf32>
    %get3A_890 = arith.constant 0 : index
    %get3A_891 = arith.constant 1 : index
    %get3A_892 = arith.constant 0 : index
    %get3A_893 = vector.load %arg11[%get3A_890, %get3A_891, %get3A_892] : memref<5x8x2704xf32, #tpu.memory_space<vmem>>, vector<5x1x2704xf32>
    %get3A_894 = vector.shape_cast %get3A_893 : vector<5x1x2704xf32> to vector<5x2704xf32>
    %get3A_895 = arith.constant 0 : index
    %get3A_896 = arith.constant 2 : index
    %get3A_897 = arith.constant 0 : index
    %get3A_898 = vector.load %arg11[%get3A_895, %get3A_896, %get3A_897] : memref<5x8x2704xf32, #tpu.memory_space<vmem>>, vector<5x1x2704xf32>
    %get3A_899 = vector.shape_cast %get3A_898 : vector<5x1x2704xf32> to vector<5x2704xf32>
    %get3A_900 = arith.constant 0 : index
    %get3A_901 = arith.constant 3 : index
    %get3A_902 = arith.constant 0 : index
    %get3A_903 = vector.load %arg11[%get3A_900, %get3A_901, %get3A_902] : memref<5x8x2704xf32, #tpu.memory_space<vmem>>, vector<5x1x2704xf32>
    %get3A_904 = vector.shape_cast %get3A_903 : vector<5x1x2704xf32> to vector<5x2704xf32>
    %get3A_905 = arith.constant 0 : index
    %get3A_906 = arith.constant 0 : index
    %get3A_907 = vector.load %arg9[%get3A_905, %get3A_906] : memref<8x2704xf32, #tpu.memory_space<vmem>>, vector<5x2704xf32>
    %gt3A_908 = arith.constant 6.000000e-01 : f32
    %gt3A_909 = vector.broadcast %gt3A_908 : f32 to vector<5x2704xf32>
    %gt3A_910 = arith.cmpf ogt, %get3A_907, %gt3A_909 : vector<5x2704xf32>
    %convert_element_type3A_911 = arith.extui %gt3A_910 : vector<5x2704xi1> to vector<5x2704xi32>
    %convert_element_type3A_912 = arith.sitofp %convert_element_type3A_911 : vector<5x2704xi32> to vector<5x2704xf32>
    %sub3A_913 = arith.constant 1.000000e+00 : f32
    %sub3A_914 = vector.broadcast %sub3A_913 : f32 to vector<5x2704xf32>
    %sub3A_915 = arith.subf %sub3A_914, %convert_element_type3A_912 : vector<5x2704xf32>
    %mul3A_916 = arith.mulf %get3A_889, %convert_element_type3A_912 : vector<5x2704xf32>
    %mul3A_917 = arith.mulf %get3A_894, %convert_element_type3A_912 : vector<5x2704xf32>
    %mul3A_918 = arith.mulf %get3A_899, %convert_element_type3A_912 : vector<5x2704xf32>
    %mul3A_919 = arith.mulf %get3A_904, %convert_element_type3A_912 : vector<5x2704xf32>
    %mul3A_920 = arith.constant 5.000000e-01 : f32
    %mul3A_921 = vector.broadcast %mul3A_920 : f32 to vector<5x2704xf32>
    %mul3A_922 = arith.mulf %mul3A_863, %mul3A_921 : vector<5x2704xf32>
    %add3A_923 = arith.addf %logistic3A_842, %mul3A_922 : vector<5x2704xf32>
    %mul3A_924 = arith.constant 5.000000e-01 : f32
    %mul3A_925 = vector.broadcast %mul3A_924 : f32 to vector<5x2704xf32>
    %mul3A_926 = arith.mulf %mul3A_918, %mul3A_925 : vector<5x2704xf32>
    %add3A_927 = arith.addf %mul3A_916, %mul3A_926 : vector<5x2704xf32>
    %min3A_928 = arith.minimumf %add3A_923, %add3A_927 : vector<5x2704xf32>
    %mul3A_929 = arith.constant 5.000000e-01 : f32
    %mul3A_930 = vector.broadcast %mul3A_929 : f32 to vector<5x2704xf32>
    %mul3A_931 = arith.mulf %mul3A_863, %mul3A_930 : vector<5x2704xf32>
    %sub3A_932 = arith.subf %logistic3A_842, %mul3A_931 : vector<5x2704xf32>
    %mul3A_933 = arith.constant 5.000000e-01 : f32
    %mul3A_934 = vector.broadcast %mul3A_933 : f32 to vector<5x2704xf32>
    %mul3A_935 = arith.mulf %mul3A_918, %mul3A_934 : vector<5x2704xf32>
    %sub3A_936 = arith.subf %mul3A_916, %mul3A_935 : vector<5x2704xf32>
    %max3A_937 = arith.maximumf %sub3A_932, %sub3A_936 : vector<5x2704xf32>
    %sub3A_938 = arith.subf %min3A_928, %max3A_937 : vector<5x2704xf32>
    %max3A_939 = arith.constant 0.000000e+00 : f32
    %max3A_940 = vector.broadcast %max3A_939 : f32 to vector<5x2704xf32>
    %max3A_941 = arith.maximumf %sub3A_938, %max3A_940 : vector<5x2704xf32>
    %mul3A_942 = arith.constant 5.000000e-01 : f32
    %mul3A_943 = vector.broadcast %mul3A_942 : f32 to vector<5x2704xf32>
    %mul3A_944 = arith.mulf %mul3A_872, %mul3A_943 : vector<5x2704xf32>
    %add3A_945 = arith.addf %logistic3A_854, %mul3A_944 : vector<5x2704xf32>
    %mul3A_946 = arith.constant 5.000000e-01 : f32
    %mul3A_947 = vector.broadcast %mul3A_946 : f32 to vector<5x2704xf32>
    %mul3A_948 = arith.mulf %mul3A_919, %mul3A_947 : vector<5x2704xf32>
    %add3A_949 = arith.addf %mul3A_917, %mul3A_948 : vector<5x2704xf32>
    %min3A_950 = arith.minimumf %add3A_945, %add3A_949 : vector<5x2704xf32>
    %mul3A_951 = arith.constant 5.000000e-01 : f32
    %mul3A_952 = vector.broadcast %mul3A_951 : f32 to vector<5x2704xf32>
    %mul3A_953 = arith.mulf %mul3A_872, %mul3A_952 : vector<5x2704xf32>
    %sub3A_954 = arith.subf %logistic3A_854, %mul3A_953 : vector<5x2704xf32>
    %mul3A_955 = arith.constant 5.000000e-01 : f32
    %mul3A_956 = vector.broadcast %mul3A_955 : f32 to vector<5x2704xf32>
    %mul3A_957 = arith.mulf %mul3A_919, %mul3A_956 : vector<5x2704xf32>
    %sub3A_958 = arith.subf %mul3A_917, %mul3A_957 : vector<5x2704xf32>
    %max3A_959 = arith.maximumf %sub3A_954, %sub3A_958 : vector<5x2704xf32>
    %sub3A_960 = arith.subf %min3A_950, %max3A_959 : vector<5x2704xf32>
    %max3A_961 = arith.constant 0.000000e+00 : f32
    %max3A_962 = vector.broadcast %max3A_961 : f32 to vector<5x2704xf32>
    %max3A_963 = arith.maximumf %sub3A_960, %max3A_962 : vector<5x2704xf32>
    %mul3A_964 = arith.mulf %max3A_941, %max3A_963 : vector<5x2704xf32>
    %mul3A_965 = arith.mulf %mul3A_863, %mul3A_872 : vector<5x2704xf32>
    %mul3A_966 = arith.mulf %mul3A_918, %mul3A_919 : vector<5x2704xf32>
    %add3A_967 = arith.addf %mul3A_965, %mul3A_966 : vector<5x2704xf32>
    %sub3A_968 = arith.subf %add3A_967, %mul3A_964 : vector<5x2704xf32>
    %add3A_969 = arith.constant 9.99999974E-6 : f32
    %add3A_970 = vector.broadcast %add3A_969 : f32 to vector<5x2704xf32>
    %add3A_971 = arith.addf %sub3A_968, %add3A_970 : vector<5x2704xf32>
    %reciprocal3A_972 = tpu.reciprocal %add3A_971 {approx = true} : vector<5x2704xf32> -> vector<5x2704xf32>
    %mul3A_973 = arith.mulf %mul3A_964, %reciprocal3A_972 : vector<5x2704xf32>
    %le3A = arith.constant 6.000000e-01 : f32
    %le3A_974 = vector.broadcast %le3A : f32 to vector<5x2704xf32>
    %le3A_975 = arith.cmpf ole, %mul3A_973, %le3A_974 : vector<5x2704xf32>
    %mul3A_976 = arith.mulf %logistic3A_884, %logistic3A_884 : vector<5x2704xf32>
    %jit3A_977 = arith.constant 0.000000e+00 : f32
    %broadcast_in_dim3A_978 = vector.broadcast %jit3A_977 : f32 to vector<5x2704xf32>
    %select_n3A_979 = arith.select %le3A_975, %mul3A_976, %broadcast_in_dim3A_978 : vector<5x2704xi1>, vector<5x2704xf32>
    %sub3A_980 = arith.constant 0.00961538497 : f32
    %sub3A_981 = vector.broadcast %sub3A_980 : f32 to vector<5x2704xf32>
    %sub3A_982 = arith.subf %logistic3A_842, %sub3A_981 : vector<5x2704xf32>
    %integer_pow3A = arith.mulf %sub3A_982, %sub3A_982 : vector<5x2704xf32>
    %sub3A_983 = arith.constant 0.00961538497 : f32
    %sub3A_984 = vector.broadcast %sub3A_983 : f32 to vector<5x2704xf32>
    %sub3A_985 = arith.subf %logistic3A_854, %sub3A_984 : vector<5x2704xf32>
    %integer_pow3A_986 = arith.mulf %sub3A_985, %sub3A_985 : vector<5x2704xf32>
    %add3A_987 = arith.addf %integer_pow3A, %integer_pow3A_986 : vector<5x2704xf32>
    %sub3A_988 = vector.broadcast %slice3A_825 : vector<5x1xf32> to vector<5x2704xf32>
    %sub3A_989 = arith.subf %mul3A_863, %sub3A_988 : vector<5x2704xf32>
    %integer_pow3A_990 = arith.mulf %sub3A_989, %sub3A_989 : vector<5x2704xf32>
    %add3A_991 = arith.addf %add3A_987, %integer_pow3A_990 : vector<5x2704xf32>
    %sub3A_992 = vector.broadcast %slice3A_831 : vector<5x1xf32> to vector<5x2704xf32>
    %sub3A_993 = arith.subf %mul3A_872, %sub3A_992 : vector<5x2704xf32>
    %integer_pow3A_994 = arith.mulf %sub3A_993, %sub3A_993 : vector<5x2704xf32>
    %add3A_995 = arith.addf %add3A_991, %integer_pow3A_994 : vector<5x2704xf32>
    %mul3A_996 = arith.mulf %sub3A_915, %add3A_995 : vector<5x2704xf32>
    %sub3A_997 = arith.subf %logistic3A_842, %get3A_889 : vector<5x2704xf32>
    %integer_pow3A_998 = arith.mulf %sub3A_997, %sub3A_997 : vector<5x2704xf32>
    %sub3A_999 = arith.subf %logistic3A_854, %get3A_894 : vector<5x2704xf32>
    %integer_pow3A_1000 = arith.mulf %sub3A_999, %sub3A_999 : vector<5x2704xf32>
    %add3A_1001 = arith.addf %integer_pow3A_998, %integer_pow3A_1000 : vector<5x2704xf32>
    %sub3A_1002 = arith.subf %mul3A_863, %get3A_899 : vector<5x2704xf32>
    %integer_pow3A_1003 = arith.mulf %sub3A_1002, %sub3A_1002 : vector<5x2704xf32>
    %add3A_1004 = arith.addf %add3A_1001, %integer_pow3A_1003 : vector<5x2704xf32>
    %sub3A_1005 = arith.subf %mul3A_872, %get3A_904 : vector<5x2704xf32>
    %integer_pow3A_1006 = arith.mulf %sub3A_1005, %sub3A_1005 : vector<5x2704xf32>
    %add3A_1007 = arith.addf %add3A_1004, %integer_pow3A_1006 : vector<5x2704xf32>
    %mul3A_1008 = arith.mulf %convert_element_type3A_912, %add3A_1007 : vector<5x2704xf32>
    %sub3A_1009 = arith.subf %logistic3A_884, %mul3A_973 : vector<5x2704xf32>
    %integer_pow3A_1010 = arith.mulf %sub3A_1009, %sub3A_1009 : vector<5x2704xf32>
    %mul3A_1011 = arith.mulf %convert_element_type3A_912, %integer_pow3A_1010 : vector<5x2704xf32>
    %get3A_1012 = arith.constant 0 : index
    %get3A_1013 = arith.constant 0 : index
    %get3A_1014 = memref.load %arg7[%get3A_1012, %get3A_1013] : memref<1x1xi32, #tpu.memory_space<smem>>
    %lt3A = arith.constant 12800 : i32
    %lt3A_1015 = arith.cmpi slt, %get3A_1014, %lt3A : i32
    %convert_element_type3A_1016 = arith.extui %lt3A_1015 : i1 to i32
    %convert_element_type3A_1017 = arith.sitofp %convert_element_type3A_1016 : i32 to f32
    %add3A_1018 = arith.addf %select_n3A_979, %mul3A_1008 : vector<5x2704xf32>
    %mul3A_1019 = arith.constant 5.000000e+00 : f32
    %mul3A_1020 = vector.broadcast %mul3A_1019 : f32 to vector<5x2704xf32>
    %mul3A_1021 = arith.mulf %mul3A_1020, %mul3A_1011 : vector<5x2704xf32>
    %add3A_1022 = arith.addf %add3A_1018, %mul3A_1021 : vector<5x2704xf32>
    %mul3A_1023 = arith.constant 0.00999999977 : f32
    %mul3A_1024 = arith.mulf %mul3A_1023, %convert_element_type3A_1017 : f32
    %mul3A_1025 = vector.broadcast %mul3A_1024 : f32 to vector<5x2704xf32>
    %mul3A_1026 = arith.mulf %mul3A_1025, %mul3A_996 : vector<5x2704xf32>
    %add3A_1027 = arith.addf %add3A_1022, %mul3A_1026 : vector<5x2704xf32>
    %get3A_1028 = arith.constant 0 : index
    %get3A_1029 = arith.constant 0 : index
    %get3A_1030 = memref.load %arg8[%get3A_1028, %get3A_1029] : memref<1x1xf32, #tpu.memory_space<smem>>
    %reduce_sum3A = vector.shape_cast %add3A_1027 : vector<5x2704xf32> to vector<1x5x2704xf32>
    %reduce_sum3A_1031 = arith.constant dense<0.000000e+00> : vector<1xf32>
    %reduce_sum3A_1032 = vector.multi_reduction <add>, %reduce_sum3A, %reduce_sum3A_1031 [1, 2] : vector<1x5x2704xf32> to vector<1xf32>
    %reduce_sum3A_1033 = vector.shape_cast %reduce_sum3A_1032 : vector<1xf32> to vector<1x1x1xf32>
    %reduce_sum3A_1034 = vector.extract %reduce_sum3A_1033[0, 0, 0] : f32 from vector<1x1x1xf32>
    %reduce_sum3A_1035 = vector.shape_cast %add3A_819 : vector<1x2704xf32> to vector<1x1x2704xf32>
    %reduce_sum3A_1036 = arith.constant dense<0.000000e+00> : vector<1xf32>
    %reduce_sum3A_1037 = vector.multi_reduction <add>, %reduce_sum3A_1035, %reduce_sum3A_1036 [1, 2] : vector<1x1x2704xf32> to vector<1xf32>
    %reduce_sum3A_1038 = vector.shape_cast %reduce_sum3A_1037 : vector<1xf32> to vector<1x1x1xf32>
    %reduce_sum3A_1039 = vector.extract %reduce_sum3A_1038[0, 0, 0] : f32 from vector<1x1x1xf32>
    %add3A_1040 = arith.addf %reduce_sum3A_1034, %reduce_sum3A_1039 : f32
    %add3A_1041 = arith.addf %get3A_1030, %add3A_1040 : f32
    %swap3A_1042 = arith.constant 0 : index
    %swap3A_1043 = arith.constant 0 : index
    %swap3A_1044 = memref.load %arg8[%swap3A_1042, %swap3A_1043] : memref<1x1xf32, #tpu.memory_space<smem>>
    memref.store %add3A_1041, %arg8[%swap3A_1042, %swap3A_1043] : memref<1x1xf32, #tpu.memory_space<smem>>
    return
  }
  func.func @transform_0(%arg0: i32) -> (i32, i32, i32, i32) {
    %c0_i32 = arith.constant 0 : i32
    %c0_i32_0 = arith.constant 0 : i32
    %c0_i32_1 = arith.constant 0 : i32
    %c0_i32_2 = arith.constant 0 : i32
    return %arg0, %c0_i32, %c0_i32_0, %c0_i32_1 : i32, i32, i32, i32
  }
  func.func @transform_1(%arg0: i32) -> (i32, i32, i32) {
    %c0_i32 = arith.constant 0 : i32
    %c0_i32_0 = arith.constant 0 : i32
    %c0_i32_1 = arith.constant 0 : i32
    return %arg0, %c0_i32, %c0_i32_0 : i32, i32, i32
  }
  func.func @transform_2(%arg0: i32) -> (i32, i32, i32) {
    %c0_i32 = arith.constant 0 : i32
    %c0_i32_0 = arith.constant 0 : i32
    %c0_i32_1 = arith.constant 0 : i32
    return %arg0, %c0_i32, %c0_i32_0 : i32, i32, i32
  }
  func.func @transform_3(%arg0: i32) -> (i32, i32, i32) {
    %c0_i32 = arith.constant 0 : i32
    %c0_i32_0 = arith.constant 0 : i32
    %c0_i32_1 = arith.constant 0 : i32
    %c0_i32_2 = arith.constant 0 : i32
    return %c0_i32, %c0_i32_0, %c0_i32_1 : i32, i32, i32
  }
  func.func @transform_4(%arg0: i32) -> (i32, i32) {
    %c0_i32 = arith.constant 0 : i32
    %c0_i32_0 = arith.constant 0 : i32
    %c0_i32_1 = arith.constant 0 : i32
    return %c0_i32, %c0_i32_0 : i32, i32
  }
  func.func @transform_5(%arg0: i32) -> (i32, i32) {
    %c0_i32 = arith.constant 0 : i32
    %c0_i32_0 = arith.constant 0 : i32
    %c0_i32_1 = arith.constant 0 : i32
    return %c0_i32, %c0_i32_0 : i32, i32
  }
  func.func @transform_6(%arg0: i32) -> (i32, i32) {
    %c0_i32 = arith.constant 0 : i32
    %c0_i32_0 = arith.constant 0 : i32
    %c0_i32_1 = arith.constant 0 : i32
    return %c0_i32, %c0_i32_0 : i32, i32
  }
  func.func @transform_7(%arg0: i32) -> (i32, i32) {
    %c0_i32 = arith.constant 0 : i32
    %c0_i32_0 = arith.constant 0 : i32
    %c0_i32_1 = arith.constant 0 : i32
    return %c0_i32, %c0_i32_0 : i32, i32
  }
}

</mosaic_0001>

<sc_bundles>
// kernel: sparse-core-data-format-call.cloned.1.call-start
scs
called_computation_lowered:
.L_overlay_start_0:
0x0: {  	s2 =	sld [smem:$0x3FD9]  }
0x1: {  	s3 =	sld [smem:$0x3FFE];
	_ =	sdelay $0x1  }
0x2: {  	s1 =	srdreg.scid  }
0x3: {  	s0 =	sand.u32 $0x1, s1  }
0x4: {  	s18 =	sshll.u32 s0, $0xA;
	s2 =	sadd.s32 s3, s2  }
0x5: {  	s2 =	sadd.s32 s2, s18  }
0x6: {  	[smem:$0x3FC4] =	sst s2  }
0x7: {  	_ = 	snop  }
0x8: {  	s2 =	sld [smem:$0x3FC9];
	(tm) =	ssettm $0x1  }
0x9: {  	s19 =	sld [smem:$0x3FFB];
	_ =	sdelay $0x3  }
0xa: {  	_ =	strace s19  }
0xb: {  	s3 =	sld [smem:$0x3FFC];
	_ =	sdelay $0x3  }
0xc: {  	_ =	strace s3  }
0xd: {  	s3 =	sld [smem:$0x3FFD];
	_ =	sdelay $0x3  }
0xe: {  	_ =	strace s3  }
0xf: {  	_ =	strace $0x8FFFFFFF  }
0x10: {  	s20 =	sld [smem:$0x3FDB];
	_ =	sdelay $0x1  }
0x11: {  	s4 =	simm.s32 $_scs_section_size  }
0x12: {  	s5 =	simm.s32 $_size__tile_overlayer_lowered;
	s6 =	simm.s32 $_tile_overlayer_lowered  }
0x13: {  	s23 =	simm.s32 $0x1BFF;
	s22 =	sshll.u32 s6, $0x1;
	s3 =	sadd.s32 s4, s20  }
0x14: {  	s7 =	simm.s32 $0x0;
	s21 =	sshll.u32 s5, $0x1;
	s5 =	sadd.s32 s22, s3  }
0x15: {  	[timem:s7], [sflag:s23] =	dma.local [hbm:s5], s21  }
0x16: {  	_ =	swait.ge [sflag:s23], s21  }
0x17: {  	s4 =	ssub.s32 $0x0, s21;
	[sflag:s23] =	ssyncset.done $0x0  }
0x18: {  	[sflag:s23] =	ssyncadd.s32 s4;
	_ =	sdelay $0x1  }
0x19: {  	s24 =	simm.s32 $0x1B8B  }
0x1a: {  	_ =	swait.ge [sflag:s24], $0x1  }
0x1b: {  	[sflag:s24] =	ssyncset.done $0x0  }
0x1c: {  	s26 =	simm.s32 $0x1B8E;
	s25 =	sld [smem:$0x3FFE];
	[sflag:s24] =	ssyncadd.s32 $0xFFFFFFFF  }
0x1d: {  	s27 =	simm.s32 $execute0_lowered;
	[smem:$0x3FD2] =	sst s26  }
0x1e: {  	s5 =	sshll.u32 s27, $0x1;
	_ =	strace $0x80000046;
	[dreg:$0x1] =	wrdreg $0xFFFFFFFF  }
0x1f: {  	s28 =	simm.s32 $_size_execute0_lowered;
	s3 =	sadd.s32 s3, s5;
	[dreg:$0x0] =	wrdreg $0x0  }
0x20: {  	s5 =	sshll.u32 s28, $0x1;
	[dreg:$0x2] =	wrdreg s3  }
0x21: {  	[dreg:$0x3] =	wrdreg s5  }
0x22: {  	[dreg:$0x4] =	wrdreg $0xC0  }
0x23: {  	_ =	task [dreg:s7], $0x5FFFF  }
0x24: {  	[dreg:$0x1] =	wrdreg $0xFFFFFFFF  }
0x25: {  	[dreg:$0x0] =	wrdreg $0x60  }
0x26: {  	[dreg:$0x2] =	wrdreg s2  }
0x27: {  	[dreg:$0x3] =	wrdreg s25  }
0x28: {  	[dreg:$0x4] =	wrdreg $0x9  }
0x29: {  	_ =	task.clear_ibuf [dreg:s7], $0x5FFFF;
	_ =	strace $0x90000046  }
0x2a: {  	s29 =	simm.s32 $0x9;
	_ =	strace $0x80000048  }
0x2b: {  	_ =	swait.ge [sflag:s29], $0x1  }
0x2c: {  	[sflag:s29] =	ssyncadd.s32 $0xFFFFFFFF  }
0x2d: {  	_ =	strace $0x90000048  }
0x2e: {  	_ =	sfence  }
0x2f: {  	s30 =	sld [smem:$0x0];
	_ =	sdelay $0x2  }
0x30: {  	s31 =	sshll.u32 s1, $0xD;
	s1 =	sshrl.u32 s1, $0x2  }
0x31: {  	s3 =	sand.u32 $0x4000, s31;
	s1 =	sadd.s32 s1, s30  }
0x32: {  	s0 =	sor.u32 s3, s0;
	s1 =	sshll.u32 s1, $0x11  }
0x33: {  	s0 =	sor.u32 s1, s0  }
0x34: {  	s0 =	sadd.s32 $0x8F2B, s0  }
0x35: {  	[sflag:s0] =	ssyncadd.remote.s32 $0x1  }
0x36: {  	_ =	sfence.sel $0xFFFF  }
0x37: {  	[dreg:$0x0] =	wrdreg $0xFFFFFFFF;
	(pc) =	sbr.abs _section_cstart, $3  }
0x38: {  	[dreg:$0x1] =	wrdreg $0xFFFFFFFF  }
0x39: {  	_ =	task.clear_ibuf [dreg:s7], $0x2FFFF;
	_ =	strace $0x9FFFFFFF  }
0x3a: {  	(tm) =	ssettm $0x7FFFFFFF  }
0x3b: {  	_ =	shalt  }
tec
execute0_lowered:
.L_overlay_start_1:
0x0: {  	(tag) =	ssettag $0x1  }
0x1: {  	s5 =	rddreg [dreg:$0x0]  }
0x2: {  	s4 =	rddreg [dreg:$0x1]  }
0x3: {  	s0 =	rddreg [dreg:$0x2];
	s1 =	srdreg.scid  }
0x4: {  	_ =	strace $0x80000047;
	s6 =	simm.s32 $0x2;
	s11 =	simm.s32 $0x0  }
0x5: {  	p0 =	por $0x0, $0x0;
	s7 =	simm.s32 $0x1C00;
	s12 =	simm.s32 $0x0  }
.Ltmp0:
0x6: {  	s9 =	simm.s32 $0x0;
	s2 =	sshll.u32 s1, $0x4;
	(pc) =	sbr.rel .LBB1_1-.Ltmp0, $4  }
0x7: {  	s10 =	simm.s32 $0x0;
	s1 =	stileid.u32;
	s3 =	sand.u32 $0x10, s2  }
0x8: {  	s8 =	simm.s32 $0x0;
	s2 =	simm.s32 $0x1;
	s3 =	sor.u32 s1, s3  }
0x9: {  	s4 =	sadd.s32 $0x800, s4;
	[sflag:s2] =	ssyncpa.u1 $0x0;
	s31 =	sshll.u32 s3, $0x4  }
0xa: {  	[sflag:s6] =	ssyncpa.u1 $0x0;
	s6 =	simm.s32 $0x40;
	s5 =	sadd.s32 s5, s31  }
.LBB1_7:
0xb: {  	s14 =	sand.u32 $0x1FFFFFF, s9  }
0xc: {  	p1 =	sgt.s32 s9, $0x37;
	s15 =	smov.u32 s9;
	s12 =	smul.u32 $0x1B580, s12  }
0xd: {  	s17 =	sand.u32 $0x1, s8;
	s16 =	smulhi.u32 $0x4924925, s14;
	s15 =	simm.s32 @!p1 $0x37  }
0xe: {  	s31 =	smul.u32 $0x2080, s17;
	s13 =	sadd.s32 s13, s15  }
0xf: {  	s29 =	smul.u32 $0x38, s16;
	s30 =	ssub.s32 $0x38, s13  }
0x10: {  	s16 =	smul.u32 $0x1F40, s30  }
0x11: {  	s12 =	sadd.s32 s4, s12;
	s13 =	sadd.s32 $0xFFFFFFC9, s13;
	s14 =	ssub.s32 s14, s29  }
0x12: {  	p1 =	sgt.s32 s13, $0x0;
	s13 =	sand.u32 $0x3FFFFFC0, s16;
	s14 =	sshll.u32 s14, $0x4  }
0x13: {  	s15 =	sor.u32 $0x4000, s31;
	s13 =	simm.s32 @p1 $0x0;
	s12 =	sadd.s32 s14, s12  }
0x14: {  	[hbm4b:s12+s6] =	stream.strided.scatter [tilespmem:s15], [sflag:$0x2], s13, s7, s6, $0x18;
	[tilespmem:$0x8100] =	vst v63  }
.LBB1_8:
0x15: {  	p1 =	slt.u32 s8, $0x2  }
0x16: {  	p2 =	sgt.s32 @!p1 s11, $0x37  }
0x17: {  	s12 =	smov.u32 s11;
	s13 =	sshra.s32 @!p1 s11, $0x1F;
	p2 =	por !p2, p1  }
0x18: {  	s11 =	sand.u32 @!p1 s13, s11;
	s12 =	simm.s32 @p2 $0x37  }
0x19: {  	s11 =	ssub.s32 @!p1 s12, s11  }
0x1a: {  	s12 =	ssub.s32 @!p1 $0x38, s11  }
0x1b: {  	s11 =	sadd.s32 @!p1 $0xFFFFFFC9, s11;
	s12 =	smul.u32 @!p1 $0x1F40, s12  }
0x1c: {  	p2 =	sgt.s32 @!p1 s11, $0x0  }
0x1d: {  	s13 =	sadd.s32 $0x1, s10;
	p2 =	por !p2, p1;
	s11 =	sand.u32 @!p1 $0x3FFFFFC0, s12  }
0x1e: {  	s8 =	sadd.s32 $0x1, s8;
	s11 =	simm.s32 @!p2 $0x0;
	p2 =	sgt.s32 s13, $0x33  }
0x1f: {  	s13 =	simm.s32 @p2 $0x0;
	p2 =	sne.s32 s8, $0x36  }
.Ltmp1:
0x20: {  	_ = 	snop;
	(pc) =	sbr.rel @!p2 .LBB1_9-.Ltmp1, $4  }
0x21: {  	s12 =	simm.s32 @!p1 $0x2  }
0x22: {  	p0 =	por !p0, !p0;
	_ =	swait.ge @!p1 [sflag:s12], s11;
	s14 =	ssub.s32 @!p1 $0x0, s11  }
0x23: {  	s11 =	smov.u32 s9;
	s9 =	smov.u32 s10;
	[sflag:s12] =	ssyncset.done @!p1 $0x0  }
0x24: {  	s10 =	smov.u32 s13;
	[sflag:s12] =	ssyncadd.s32 @!p1 s14;
	s12 =	smov.u32 s3  }
.LBB1_1:
0x25: {  	p1 =	sgt.u32 s8, $0x33  }
0x26: {  	p2 =	sgt.s32 @!p1 s10, $0x33  }
0x27: {  	s13 =	smov.u32 s10;
	s14 =	sshra.s32 @!p1 s10, $0x1F;
	p2 =	por !p2, p1  }
0x28: {  	s14 =	sand.u32 @!p1 s14, s10;
	s13 =	simm.s32 @p2 $0x33  }
0x29: {  	s13 =	ssub.s32 @!p1 s13, s14  }
0x2a: {  	s14 =	ssub.s32 @!p1 $0x34, s13  }
0x2b: {  	s14 =	smul.u32 @!p1 $0x1A00, s14  }
0x2c: {  	s15 =	sxor.u32 @!p1 $0xFFFFFFFF, s8;
	s16 =	simm.s32 @!p1 $0x80;
	s13 =	sadd.s32 @!p1 $0xFFFFFFCD, s13  }
0x2d: {  	p2 =	sgt.s32 @!p1 s13, $0x0;
	s13 =	sand.u32 @!p1 $0x3FFFFE00, s14;
	s14 =	smul.u32 @!p1 $0x6800, s10  }
0x2e: {  	s17 =	simm.s32 @!p1 $0x1000;
	s15 =	sshll.u32 @!p1 s15, $0xD;
	p2 =	por !p2, p1  }
0x2f: {  	s15 =	sand.u32 @!p1 $0x2000, s15;
	s13 =	simm.s32 @!p2 $0x0;
	s14 =	sadd.s32 @!p1 s14, s5  }
0x30: {  	[tilespmem:s15], [sflag:$0x1] =	stream.strided.gather @!p1 [hbm4b:s14+s16], s13, s17, s16, $0x38;
	[tilespmem:$0x8100] =	vst v63  }
0x31: {  	p1 =	seq.s32 s8, $0x0  }
0x32: {  	p2 =	seq.s32 @!p1 s8, $0x35  }
0x33: {  	p1 =	por p1, p2  }
.Ltmp2:
0x34: {  	_ = 	snop;
	(pc) =	sbr.rel @p1 .LBB1_8-.Ltmp2, $1  }
0x35: {  	_ =	sdelay $0x3  }
0x36: {  	s13 =	ssub.s32 $0x0, s9  }
0x37: {  	s14 =	sshra.s32 s9, $0x1F;
	p1 =	sgt.s32 s9, $0x33;
	s15 =	smov.u32 s9  }
0x38: {  	s13 =	sand.u32 s13, s14;
	s15 =	simm.s32 @!p1 $0x33  }
0x39: {  	s14 =	sadd.s32 s13, s15  }
0x3a: {  	s16 =	sadd.s32 $0x1, s9;
	s15 =	ssub.s32 $0x34, s14  }
0x3b: {  	p2 =	slt.s32 s16, $0x34;
	s15 =	smul.u32 $0x1A00, s15  }
0x3c: {  	s16 =	simm.s32 @!p2 $0x34;
	s14 =	sadd.s32 $0xFFFFFFCD, s14  }
0x3d: {  	p1 =	sgt.s32 s14, $0x0;
	s14 =	ssub.s32 s16, s9;
	s15 =	sand.u32 $0x3FFFFE00, s15  }
0x3e: {  	s15 =	simm.s32 @p1 $0x0;
	p1 =	slt.s32 s14, $0x1  }
.Ltmp3:
0x3f: {  	_ = 	snop;
	(pc) =	sbr.rel @p1 .LBB1_7-.Ltmp3, $4  }
0x40: {  	_ = 	snop  }
0x41: {  	_ =	swait.ge [sflag:s2], s15  }
0x42: {  	s15 =	ssub.s32 $0x0, s15;
	[sflag:s2] =	ssyncset.done $0x0  }
0x43: {  	[sflag:s2] =	ssyncadd.s32 s15  }
0x44: {  	s15 =	simm.s32 $0x1  }
0x45: {  	s15 =	simm.s32 @!p0 $0x0  }
0x46: {  	s16 =	smul.u32 $0x8200, s15;
	_ =	sdelay $0x1  }
0x47: {  	s17 =	simm.s32 $0x0;
	s15 =	sshll.u32 s15, $0xD;
	s16 =	sshrl.u32 s16, $0x2  }
0x48: {  	s18 =	simm.s32 $0x0;
	s15 =	sor.u32 $0x40, s15;
	s16 =	sor.u32 $0x4000, s16  }
.LBB1_4:
0x49: {  	s19 =	sand.u32 $0x7, s17  }
0x4a: {  	v0 =	vld [tilespmem:s15+$0x30];
	s19 =	smul.u32 $0x104, s19  }
0x4b: {  	v1 =	vld [tilespmem:s15+$0xFFFFFFD0]  }
0x4c: {  	v5 =	vld [tilespmem:s15+$0xFFFFFFE0];
	s19 =	sshrl.u32 s19, $0x2  }
0x4d: {  	v6 =	vld [tilespmem:s15+$0xFFFFFFF0];
	s19 =	sadd.s32 s19, s16  }
0x4e: {  	v2 =	vld [tilespmem:s15+$0x0];
	s20 =	sadd.s32 $0x0, s19  }
0x4f: {  	v3 =	vld [tilespmem:s15+$0x10];
	[tilespmem:s20+$0x1C70 ss:$0x41] =	vst.msk $0xffff, v0  }
0x50: {  	v4 =	vld [tilespmem:s15+$0x20];
	[tilespmem:s20+$0x410 ss:$0x41] =	vst.msk $0xffff, v1  }
0x51: {  	s21 =	sadd.s32 $0x80, s15;
	v0 =	vld [tilespmem:s15+$0xFFFFFFC0];
	[tilespmem:s20+$0x820 ss:$0x41] =	vst.msk $0xffff, v5  }
0x52: {  	s22 =	simm.s32 $0x4;
	s23 =	simm.s32 $0x8;
	v1 =	vld [tilespmem:s21+$0x30];
	[tilespmem:s20+$0xC30 ss:$0x41] =	vst.msk $0xffff, v6  }
.LBB1_5:
0x53: {  	p1 =	sne.s32 s23, $0xCC;
	v5 =	vld [tilespmem:s21+$0xFFFFFFD0];
	[tilespmem:s20+$0x1040 ss:$0x41] =	vst.msk $0xffff, v2  }
0x54: {  	v6 =	vld [tilespmem:s21+$0xFFFFFFE0];
	[tilespmem:s20+$0x1450 ss:$0x41] =	vst.msk $0xffff, v3  }
0x55: {  	s24 =	sshra.s32 s22, $0x2;
	s22 =	smov.u32 s23;
	v7 =	vld [tilespmem:s21+$0xFFFFFFF0];
	[tilespmem:s20+$0x1860 ss:$0x41] =	vst.msk $0xffff, v4  }
.Ltmp4:
0x56: {  	v2 =	vld [tilespmem:s21+$0x0];
	[tilespmem:s20+$0x0 ss:$0x41] =	vst.msk $0xffff, v0;
	s20 =	sadd.s32 s24, s19;
	(pc) =	sbr.rel @p1 .LBB1_5-.Ltmp4, $4  }
0x57: {  	v3 =	vld [tilespmem:s21+$0x10];
	[tilespmem:s20+$0x1C70 ss:$0x41] =	vst.msk $0xffff, v1  }
0x58: {  	[tilespmem:s20+$0x410 ss:$0x41] =	vst.msk $0xffff, v5;
	v4 =	vld [tilespmem:s21+$0x20]  }
0x59: {  	v0 =	vld [tilespmem:s21+$0xFFFFFFC0];
	[tilespmem:s20+$0x820 ss:$0x41] =	vst.msk $0xffff, v6;
	s21 =	sadd.s32 $0x80, s21  }
0x5a: {  	s23 =	sadd.s32 $0x4, s23;
	v1 =	vld [tilespmem:s21+$0x30];
	[tilespmem:s20+$0xC30 ss:$0x41] =	vst.msk $0xffff, v7  }
0x5b: {  	v5 =	vld [tilespmem:s21+$0xFFFFFFD0];
	[tilespmem:s20+$0x1040 ss:$0x41] =	vst.msk $0xffff, v2  }
0x5c: {  	v58 =	vld [tilespmem:s21+$0xFFFFFFE0];
	[tilespmem:s20+$0x1450 ss:$0x41] =	vst.msk $0xffff, v3  }
0x5d: {  	s22 =	sshra.s32 s22, $0x2;
	v59 =	vld [tilespmem:s21+$0xFFFFFFF0];
	[tilespmem:s20+$0x1860 ss:$0x41] =	vst.msk $0xffff, v4  }
0x5e: {  	v60 =	vld [tilespmem:s21+$0x0];
	s19 =	sadd.s32 s22, s19;
	[tilespmem:s20+$0x0 ss:$0x41] =	vst.msk $0xffff, v0  }
0x5f: {  	v61 =	vld [tilespmem:s21+$0x10];
	[tilespmem:s19+$0x1C70 ss:$0x41] =	vst.msk $0xffff, v1  }
0x60: {  	v62 =	vld [tilespmem:s21+$0x20];
	s18 =	sadd.s32 $0x1, s18;
	[tilespmem:s19+$0x410 ss:$0x41] =	vst.msk $0xffff, v5  }
0x61: {  	v63 =	vld [tilespmem:s21+$0xFFFFFFC0];
	p1 =	sne.s32 s18, s14;
	[tilespmem:s19+$0x820 ss:$0x41] =	vst.msk $0xffff, v58  }
.Ltmp5:
0x62: {  	[tilespmem:s19+$0xC30 ss:$0x41] =	vst.msk $0xffff, v59;
	(pc) =	sbr.rel @p1 .LBB1_4-.Ltmp5, $4  }
.Ltmp6:
0x63: {  	[tilespmem:s19+$0x1040 ss:$0x41] =	vst.msk $0xffff, v60;
	(pc) =	sbr.rel @!p1 .LBB1_7-.Ltmp6, $4  }
0x64: {  	[tilespmem:s19+$0x1450 ss:$0x41] =	vst.msk $0xffff, v61  }
0x65: {  	[tilespmem:s19+$0x1860 ss:$0x41] =	vst.msk $0xffff, v62  }
0x66: {  	s17 =	sadd.s32 $0x1, s17;
	s15 =	sadd.s32 $0x2000, s15;
	[tilespmem:s19+$0x0 ss:$0x41] =	vst.msk $0xffff, v63  }
0x67: {  	_ = 	snop  }
.LBB1_9:
0x68: {  	_ =	sfence.sel $0x180000  }
0x69: {  	s2 =	simm.s32 $0x1;
	[bflag:$0x0] =	sbarrier.arrive $0xFFFF  }
0x6a: {  	s31 =	simm.s32 $0x2;
	[sflag:s2] =	ssyncpa.u1 $0x1  }
0x6b: {  	[sflag:s31] =	ssyncpa.u1 $0x1  }
0x6c: {  	p0 =	sne.s32 s1, $0x0;
	_ =	strace $0x90000047  }
0x6d: {  	s0 =	sadd.s32 @!p0 $0x100000, s0;
	[bflag:$0x2] =	sbarrier.arrive $0xFFFF  }
0x6e: {  	[sflag:s0] =	ssyncadd.tile.s32 @!p0 $0x1;
	_ =	shalt  }
.Lfunc_end1:
_tile_overlayer_lowered:
.L_overlay_start_2:
0x6f: {  	(tag) =	ssettag $0x2  }
0x70: {  	s0 =	rddreg [dreg:$0x0];
	s2 =	stileid.u32  }
0x71: {  	s1 =	rddreg [dreg:$0x1];
	p0 =	sne.s32 s2, $0x0  }
0x72: {  	s3 =	rddreg [dreg:$0x2];
	[bflag:$0x3] =	sbarrier.arrive $0xFFFF;
	s2 =	simm.s32 @!p0 $0x1C01  }
0x73: {  	[timem:s3], [sflag:s2] =	dma.local @!p0 [hbm:s0], s1  }
0x74: {  	s0 =	simm.s32 @!p0 $0x1  }
0x75: {  	_ =	swait.ge @!p0 [sflag:s0], s1  }
0x76: {  	s1 =	ssub.s32 @!p0 $0x0, s1;
	[sflag:s0] =	ssyncset.done @!p0 $0x0  }
0x77: {  	[sflag:s0] =	ssyncadd.s32 @!p0 s1  }
0x78: {  	[bflag:$0x3] =	sbarrier.arrive $0xFFFF  }
0x79: {  	_ =	shalt  }

</sc_bundles>
